<compile_context>
chip_gen: v7x
topology: tpu7x:2x2x1
jax: 0.10.2.dev20260603
libtpu: 0.0.44.dev20260713+nightly
codegen_flags: <defaults>
</compile_context>

<pallas_src>
import functools

import jax
import jax.numpy as jnp
from jax import lax
from jax.experimental import pallas as pl
from jax.experimental.pallas import tpu as pltpu
from jax.experimental.pallas import tpu_sc as plsc

_N = 10000
_R = 14
_H = 128
_E = 320000
_NCLS = 10

_NC = 2
_NS = 16
_NW = _NC * _NS
_C = 128
_NCH = -(-_E // (_NW * _C))
_EPAD = _NW * _NCH * _C
_NPAD = 10112
_RPT = _NPAD // _NS

_BN = 1000



def _sc_edge_agg(table, gidx, dstx):
    mesh = plsc.VectorSubcoreMesh(
        core_axis_name="c", subcore_axis_name="s",
        num_cores=_NC, num_subcores=_NS)

    @functools.partial(
        pl.kernel,
        out_type=jax.ShapeDtypeStruct((_NC, _NPAD, _H), jnp.float32),
        mesh=mesh,
        scratch_types=[
            pltpu.VMEM((_C,), jnp.int32),
            pltpu.VMEM((_C,), jnp.int32),
            pltpu.VMEM((_C, _H), jnp.float32),
            pltpu.VMEM_SHARED((_NPAD, _H), jnp.float32),
            pltpu.SemaphoreType.DMA,
        ],
    )
    def k(table_h, gidx_h, dstx_h, out_h, gi_v, di_v, msg_v, acc_s, sem):
        cid = lax.axis_index("c")
        sid = lax.axis_index("s")
        wid = sid * _NC + cid
        base = sid * _RPT

        zero = jnp.zeros((16,), jnp.float32)

        def zrow(i, carry):
            for c8 in range(_H // 16):
                msg_v[i, pl.ds(c8 * 16, 16)] = zero
            return carry

        lax.fori_loop(0, _C, zrow, 0)
        for kk in range(_RPT // _C):
            pltpu.sync_copy(msg_v, acc_s.at[pl.ds(base + kk * _C, _C)])
        rem = _RPT % _C
        if rem:
            pltpu.sync_copy(msg_v.at[pl.ds(0, rem)],
                            acc_s.at[pl.ds(base + (_RPT // _C) * _C, rem)])
        plsc.subcore_barrier()

        def body(j, carry):
            pltpu.sync_copy(gidx_h.at[wid, j], gi_v)
            pltpu.sync_copy(dstx_h.at[wid, j], di_v)
            pltpu.async_copy(table_h.at[gi_v], msg_v, sem).wait()
            pltpu.sync_copy(msg_v, acc_s.at[di_v], add=True)
            return carry

        lax.fori_loop(0, _NCH, body, 0)
        plsc.subcore_barrier()
        pltpu.sync_copy(acc_s.at[pl.ds(base, _RPT)],
                        out_h.at[cid, pl.ds(base, _RPT)])

    return k(table, gidx, dstx)



def _proj_body(x, W_ref, Ws_ref, b_ref, proj_ref, self_ref):
    for r in range(_R):
        proj_ref[:, r, :] = jnp.dot(x, W_ref[r],
                                    preferred_element_type=jnp.float32)
    self_ref[...] = jnp.dot(x, Ws_ref[...],
                            preferred_element_type=jnp.float32) + b_ref[...]


def _project_l1(h, W, Ws, b):
    def body(h_ref, W_ref, Ws_ref, b_ref, proj_ref, self_ref):
        _proj_body(h_ref[...], W_ref, Ws_ref, b_ref, proj_ref, self_ref)

    return pl.pallas_call(
        body,
        grid=(_N // _BN,),
        in_specs=[
            pl.BlockSpec((_BN, _H), lambda i: (i, 0)),
            pl.BlockSpec((_R, _H, _H), lambda i: (0, 0, 0)),
            pl.BlockSpec((_H, _H), lambda i: (0, 0)),
            pl.BlockSpec((1, _H), lambda i: (0, 0)),
        ],
        out_specs=[
            pl.BlockSpec((_BN, _R, _H), lambda i: (i, 0, 0)),
            pl.BlockSpec((_BN, _H), lambda i: (i, 0)),
        ],
        out_shape=[
            jax.ShapeDtypeStruct((_N, _R, _H), jnp.float32),
            jax.ShapeDtypeStruct((_N, _H), jnp.float32),
        ],
    )(h, W, Ws, b.reshape(1, _H))


def _combine_project_l2(agg, selfp, W, Ws, b):
    def body(agg_ref, self_ref, W_ref, Ws_ref, b_ref, proj_ref, self2_ref):
        x = jnp.maximum(agg_ref[0] + agg_ref[1] + self_ref[...], 0.0)
        _proj_body(x, W_ref, Ws_ref, b_ref, proj_ref, self2_ref)

    return pl.pallas_call(
        body,
        grid=(_N // _BN,),
        in_specs=[
            pl.BlockSpec((2, _BN, _H), lambda i: (0, i, 0)),
            pl.BlockSpec((_BN, _H), lambda i: (i, 0)),
            pl.BlockSpec((_R, _H, _H), lambda i: (0, 0, 0)),
            pl.BlockSpec((_H, _H), lambda i: (0, 0)),
            pl.BlockSpec((1, _H), lambda i: (0, 0)),
        ],
        out_specs=[
            pl.BlockSpec((_BN, _R, _H), lambda i: (i, 0, 0)),
            pl.BlockSpec((_BN, _H), lambda i: (i, 0)),
        ],
        out_shape=[
            jax.ShapeDtypeStruct((_N, _R, _H), jnp.float32),
            jax.ShapeDtypeStruct((_N, _H), jnp.float32),
        ],
    )(agg, selfp, W, Ws, b.reshape(1, _H))


def _head(agg, selfp, Wc, bc):
    def body(agg_ref, self_ref, Wc_ref, bc_ref, out_ref, acc_ref):
        i = pl.program_id(0)
        x = jnp.maximum(agg_ref[0] + agg_ref[1] + self_ref[...], 0.0)
        part = jnp.sum(x, axis=0, keepdims=True)

        @pl.when(i == 0)
        def _():
            acc_ref[...] = part

        @pl.when(i > 0)
        def _():
            acc_ref[...] = acc_ref[...] + part

        @pl.when(i == pl.num_programs(0) - 1)
        def _():
            hg = acc_ref[...] * (1.0 / _N)
            logits = jnp.dot(hg, Wc_ref[...],
                             preferred_element_type=jnp.float32) + bc_ref[...]
            m = jnp.max(logits, axis=1, keepdims=True)
            e = jnp.exp(logits - m)
            out_ref[...] = e / jnp.sum(e, axis=1, keepdims=True)

    return pl.pallas_call(
        body,
        grid=(_N // _BN,),
        in_specs=[
            pl.BlockSpec((2, _BN, _H), lambda i: (0, i, 0)),
            pl.BlockSpec((_BN, _H), lambda i: (i, 0)),
            pl.BlockSpec((_H, _NCLS), lambda i: (0, 0)),
            pl.BlockSpec((1, _NCLS), lambda i: (0, 0)),
        ],
        out_specs=pl.BlockSpec((1, _NCLS), lambda i: (0, 0)),
        out_shape=jax.ShapeDtypeStruct((1, _NCLS), jnp.float32),
        scratch_shapes=[pltpu.VMEM((1, _H), jnp.float32)],
    )(agg, selfp, Wc, bc.reshape(1, _NCLS))



def kernel(h, edge_index, rel_types, W1, Ws1, b1, W2, Ws2, b2, Wc, bc):
    h = h.astype(jnp.float32)
    src = edge_index[0]
    dst = edge_index[1]

    pad = _EPAD - _E
    gidx = src * _R + rel_types
    gidx = jnp.concatenate([gidx, jnp.zeros((pad,), jnp.int32)])
    gidx = gidx.reshape(_NW, _NCH, _C)
    dstx = jnp.concatenate([dst, jnp.full((pad,), _N, jnp.int32)])
    dstx = dstx.reshape(_NW, _NCH, _C)

    proj1, self1 = _project_l1(h, W1, Ws1, b1)
    agg1 = _sc_edge_agg(proj1.reshape(_N * _R, _H), gidx, dstx)
    proj2, self2 = _combine_project_l2(agg1, self1, W2, Ws2, b2)
    agg2 = _sc_edge_agg(proj2.reshape(_N * _R, _H), gidx, dstx)
    return _head(agg2, self2, Wc, bc)

# --- scband reference (transcript-rebuilt; emitter-appended) ---
"""Pipeline reference for scband-classifier-54262616817905 (READ-ONLY COPY).

The authoritative reference and input builder live on the scoring server;
editing this copy changes nothing except your own understanding.
"""

import jax, jax.numpy as jnp
import numpy as np

N_NODES = 10000
N_EDGES = 320000
N_REL = 14
IN_DIM = 128
HID = 128
N_CLS = 10


def setup_inputs(seed: int = 0) -> dict:
    key = jax.random.key(seed)
    ks = jax.random.split(key, 12)
    h = jax.random.normal(ks[0], (N_NODES, IN_DIM), dtype=jnp.float32)
    edge_index = jax.random.randint(ks[1], (2, N_EDGES), 0, N_NODES, dtype=jnp.int32)
    rel_types = jax.random.randint(ks[2], (N_EDGES,), 0, N_REL, dtype=jnp.int32)
    s_in = 1.0 / np.sqrt(IN_DIM)
    s_h = 1.0 / np.sqrt(HID)
    W1 = jax.random.normal(ks[3], (N_REL, IN_DIM, HID), dtype=jnp.float32) * s_in
    Ws1 = jax.random.normal(ks[4], (IN_DIM, HID), dtype=jnp.float32) * s_in
    b1 = jnp.zeros((HID,), dtype=jnp.float32)
    W2 = jax.random.normal(ks[5], (N_REL, HID, HID), dtype=jnp.float32) * s_h
    Ws2 = jax.random.normal(ks[6], (HID, HID), dtype=jnp.float32) * s_h
    b2 = jnp.zeros((HID,), dtype=jnp.float32)
    Wc = jax.random.normal(ks[7], (HID, N_CLS), dtype=jnp.float32) * s_h
    bc = jnp.zeros((N_CLS,), dtype=jnp.float32)
    return {"h": h, "edge_index": edge_index, "rel_types": rel_types,
            "W1": W1, "Ws1": Ws1, "b1": b1,
            "W2": W2, "Ws2": Ws2, "b2": b2,
            "Wc": Wc, "bc": bc}


def _rel_graph_conv(h, W, W_self, b, src, dst, rel):
    # per-relation projection of all node features: [N, R, H]
    proj = jnp.einsum('nd,rdh->nrh', h, W)
    # gather per-edge message W_{rel_e} h_{src_e}: [E, H]
    msgs = proj[src, rel]
    # scatter-add (sum aggregation) to destination nodes
    agg = jax.ops.segment_sum(msgs, dst, num_segments=h.shape[0])
    # self-loop + bias
    return agg + h @ W_self + b


def reference(h, edge_index, rel_types, W1, Ws1, b1, W2, Ws2, b2, Wc, bc):
    h = h.astype(jnp.float32)
    src = edge_index[0]
    dst = edge_index[1]
    x = jax.nn.relu(_rel_graph_conv(h, W1, Ws1, b1, src, dst, rel_types))
    x = jax.nn.relu(_rel_graph_conv(x, W2, Ws2, b2, src, dst, rel_types))
    # dgl.mean_nodes over a single graph -> [1, HID]
    hg = jnp.mean(x, axis=0, keepdims=True)
    logits = hg @ Wc + bc
    return jax.nn.softmax(logits, axis=1)

if __name__ == "__main__":
    import jax
    _d = setup_inputs()
    print(jax.jit(kernel)(*tuple(_d.values())))

</pallas_src>

<mosaic_0001>
#map = affine_map<(d0, d1) -> (0, 0)>
#map1 = affine_map<(d0, d1) -> (0, 0, 0)>
module attributes {stable_mosaic.version = 14 : i64} {
  func.func @k(%arg0: i32, %arg1: i32, %arg2: memref<140000x128xf32, #tpu.memory_space<hbm>>, %arg3: memref<32x79x128xi32, #tpu.memory_space<hbm>>, %arg4: memref<32x79x128xi32, #tpu.memory_space<hbm>>, %arg5: memref<2x10112x128xf32, #tpu.memory_space<hbm>>, %arg6: memref<128xi32, #tpu.memory_space<vmem>>, %arg7: memref<128xi32, #tpu.memory_space<vmem>>, %arg8: memref<128x128xf32, #tpu.memory_space<vmem>>, %arg9: memref<10112x128xf32, #tpu.memory_space<vmem_shared>>, %arg10: memref<!tpu.dma_semaphore, #tpu.memory_space<semaphore_mem>>) attributes {dimension_semantics = [#tpu.dimension_semantics<core_parallel>, #tpu.dimension_semantics<subcore_parallel>], iteration_bounds = array<i64: 2, 16>, scalar_prefetch = 0 : i64, scratch_operands = 5 : i64, tpu.core_type = #tpu.core_type<sc_vector_subcore>, window_params = [{transform_indices = #map}, {transform_indices = #map1}, {transform_indices = #map1}, {transform_indices = #map1}]} {
    %mul3A = arith.constant 2 : i32
    %mul3A_0 = arith.muli %arg1, %mul3A : i32
    %add3A = arith.addi %mul3A_0, %arg0 : i32
    %mul3A_1 = arith.constant 632 : i32
    %mul3A_2 = arith.muli %arg1, %mul3A_1 : i32
    %broadcast_in_dim3A = arith.constant 0.000000e+00 : f32
    %broadcast_in_dim3A_3 = vector.broadcast %broadcast_in_dim3A : f32 to vector<16xf32>
    %scan3A = arith.constant 0 : i32
    %scan3A_4 = arith.constant 0 : i32
    %scan3A_5 = arith.constant 128 : i32
    %scan3A_6 = arith.addi %scan3A_4, %scan3A_5 : i32
    %scan3A_7 = arith.constant 1 : i32
    scf.for %scan3A_26 = %scan3A_4 to %scan3A_6 step %scan3A_7  : i32 {
      %swap3A = arith.index_cast %scan3A_26 : i32 to index
      %swap3A_27 = arith.constant 0 : index
      %swap3A_28 = tpu.vector_load %arg8[%swap3A, %swap3A_27] {strides = array<i32>} : memref<128x128xf32, #tpu.memory_space<vmem>>, vector<1x16xf32>,
      %swap3A_29 = vector.shape_cast %swap3A_28 : vector<1x16xf32> to vector<16xf32>
      %swap3A_30 = vector.shape_cast %broadcast_in_dim3A_3 : vector<16xf32> to vector<1x16xf32>
      tpu.vector_store %arg8[%swap3A, %swap3A_27], %swap3A_30 {strides = array<i32>} : memref<128x128xf32, #tpu.memory_space<vmem>>, vector<1x16xf32>,
      %swap3A_31 = arith.index_cast %scan3A_26 : i32 to index
      %swap3A_32 = arith.constant 16 : index
      %swap3A_33 = tpu.vector_load %arg8[%swap3A_31, %swap3A_32] {strides = array<i32>} : memref<128x128xf32, #tpu.memory_space<vmem>>, vector<1x16xf32>,
      %swap3A_34 = vector.shape_cast %swap3A_33 : vector<1x16xf32> to vector<16xf32>
      %swap3A_35 = vector.shape_cast %broadcast_in_dim3A_3 : vector<16xf32> to vector<1x16xf32>
      tpu.vector_store %arg8[%swap3A_31, %swap3A_32], %swap3A_35 {strides = array<i32>} : memref<128x128xf32, #tpu.memory_space<vmem>>, vector<1x16xf32>,
      %swap3A_36 = arith.index_cast %scan3A_26 : i32 to index
      %swap3A_37 = arith.constant 32 : index
      %swap3A_38 = tpu.vector_load %arg8[%swap3A_36, %swap3A_37] {strides = array<i32>} : memref<128x128xf32, #tpu.memory_space<vmem>>, vector<1x16xf32>,
      %swap3A_39 = vector.shape_cast %swap3A_38 : vector<1x16xf32> to vector<16xf32>
      %swap3A_40 = vector.shape_cast %broadcast_in_dim3A_3 : vector<16xf32> to vector<1x16xf32>
      tpu.vector_store %arg8[%swap3A_36, %swap3A_37], %swap3A_40 {strides = array<i32>} : memref<128x128xf32, #tpu.memory_space<vmem>>, vector<1x16xf32>,
      %swap3A_41 = arith.index_cast %scan3A_26 : i32 to index
      %swap3A_42 = arith.constant 48 : index
      %swap3A_43 = tpu.vector_load %arg8[%swap3A_41, %swap3A_42] {strides = array<i32>} : memref<128x128xf32, #tpu.memory_space<vmem>>, vector<1x16xf32>,
      %swap3A_44 = vector.shape_cast %swap3A_43 : vector<1x16xf32> to vector<16xf32>
      %swap3A_45 = vector.shape_cast %broadcast_in_dim3A_3 : vector<16xf32> to vector<1x16xf32>
      tpu.vector_store %arg8[%swap3A_41, %swap3A_42], %swap3A_45 {strides = array<i32>} : memref<128x128xf32, #tpu.memory_space<vmem>>, vector<1x16xf32>,
      %swap3A_46 = arith.index_cast %scan3A_26 : i32 to index
      %swap3A_47 = arith.constant 64 : index
      %swap3A_48 = tpu.vector_load %arg8[%swap3A_46, %swap3A_47] {strides = array<i32>} : memref<128x128xf32, #tpu.memory_space<vmem>>, vector<1x16xf32>,
      %swap3A_49 = vector.shape_cast %swap3A_48 : vector<1x16xf32> to vector<16xf32>
      %swap3A_50 = vector.shape_cast %broadcast_in_dim3A_3 : vector<16xf32> to vector<1x16xf32>
      tpu.vector_store %arg8[%swap3A_46, %swap3A_47], %swap3A_50 {strides = array<i32>} : memref<128x128xf32, #tpu.memory_space<vmem>>, vector<1x16xf32>,
      %swap3A_51 = arith.index_cast %scan3A_26 : i32 to index
      %swap3A_52 = arith.constant 80 : index
      %swap3A_53 = tpu.vector_load %arg8[%swap3A_51, %swap3A_52] {strides = array<i32>} : memref<128x128xf32, #tpu.memory_space<vmem>>, vector<1x16xf32>,
      %swap3A_54 = vector.shape_cast %swap3A_53 : vector<1x16xf32> to vector<16xf32>
      %swap3A_55 = vector.shape_cast %broadcast_in_dim3A_3 : vector<16xf32> to vector<1x16xf32>
      tpu.vector_store %arg8[%swap3A_51, %swap3A_52], %swap3A_55 {strides = array<i32>} : memref<128x128xf32, #tpu.memory_space<vmem>>, vector<1x16xf32>,
      %swap3A_56 = arith.index_cast %scan3A_26 : i32 to index
      %swap3A_57 = arith.constant 96 : index
      %swap3A_58 = tpu.vector_load %arg8[%swap3A_56, %swap3A_57] {strides = array<i32>} : memref<128x128xf32, #tpu.memory_space<vmem>>, vector<1x16xf32>,
      %swap3A_59 = vector.shape_cast %swap3A_58 : vector<1x16xf32> to vector<16xf32>
      %swap3A_60 = vector.shape_cast %broadcast_in_dim3A_3 : vector<16xf32> to vector<1x16xf32>
      tpu.vector_store %arg8[%swap3A_56, %swap3A_57], %swap3A_60 {strides = array<i32>} : memref<128x128xf32, #tpu.memory_space<vmem>>, vector<1x16xf32>,
      %swap3A_61 = arith.index_cast %scan3A_26 : i32 to index
      %swap3A_62 = arith.constant 112 : index
      %swap3A_63 = tpu.vector_load %arg8[%swap3A_61, %swap3A_62] {strides = array<i32>} : memref<128x128xf32, #tpu.memory_space<vmem>>, vector<1x16xf32>,
      %swap3A_64 = vector.shape_cast %swap3A_63 : vector<1x16xf32> to vector<16xf32>
      %swap3A_65 = vector.shape_cast %broadcast_in_dim3A_3 : vector<16xf32> to vector<1x16xf32>
      tpu.vector_store %arg8[%swap3A_61, %swap3A_62], %swap3A_65 {strides = array<i32>} : memref<128x128xf32, #tpu.memory_space<vmem>>, vector<1x16xf32>,
    }
    %scan3A_8 = arith.constant 128 : i32
    %add3A_9 = arith.constant 0 : i32
    %add3A_10 = arith.addi %mul3A_2, %add3A_9 : i32
    "tpu.region"() ({
      %run_scoped3A = tpu.sem_alloc : memref<!tpu.dma_semaphore, #tpu.memory_space<semaphore_mem>>
      %dma_start3A = arith.constant 0 : i32
      %dma_start3A_26 = tpu.memref_slice %arg9[%add3A_10, %dma_start3A] : memref<10112x128xf32, #tpu.memory_space<vmem_shared>> -> memref<128x128xf32, #tpu.memory_space<vmem_shared>>
      %dma_start3A_27 = arith.constant 0 : i32
      %dma_start3A_28 = tpu.memref_slice %arg9[%add3A_10, %dma_start3A_27] : memref<10112x128xf32, #tpu.memory_space<vmem_shared>> -> memref<128x128xf32, #tpu.memory_space<vmem_shared>>
      tpu.enqueue_dma source(%arg8 : memref<128x128xf32, #tpu.memory_space<vmem>>) target(%dma_start3A_28 : memref<128x128xf32, #tpu.memory_space<vmem_shared>>) target_semaphore(%run_scoped3A : memref<!tpu.dma_semaphore, #tpu.memory_space<semaphore_mem>>)
      %dma_wait3A = arith.constant 0 : i32
      %dma_wait3A_29 = tpu.memref_slice %arg9[%add3A_10, %dma_wait3A] : memref<10112x128xf32, #tpu.memory_space<vmem_shared>> -> memref<128x128xf32, #tpu.memory_space<vmem_shared>>
      %dma_wait3A_30 = arith.constant 0 : i32
      %dma_wait3A_31 = tpu.memref_slice %arg9[%add3A_10, %dma_wait3A_30] : memref<10112x128xf32, #tpu.memory_space<vmem_shared>> -> memref<128x128xf32, #tpu.memory_space<vmem_shared>>
      tpu.wait_dma2 semaphore(%run_scoped3A : memref<!tpu.dma_semaphore, #tpu.memory_space<semaphore_mem>>) src(%arg8 : memref<128x128xf32, #tpu.memory_space<vmem>>) dst(%dma_wait3A_31 : memref<128x128xf32, #tpu.memory_space<vmem_shared>>)
      tpu.yield
    }) : () -> ()
    %add3A_11 = arith.constant 128 : i32
    %add3A_12 = arith.addi %mul3A_2, %add3A_11 : i32
    "tpu.region"() ({
      %run_scoped3A = tpu.sem_alloc : memref<!tpu.dma_semaphore, #tpu.memory_space<semaphore_mem>>
      %dma_start3A = arith.constant 0 : i32
      %dma_start3A_26 = tpu.memref_slice %arg9[%add3A_12, %dma_start3A] : memref<10112x128xf32, #tpu.memory_space<vmem_shared>> -> memref<128x128xf32, #tpu.memory_space<vmem_shared>>
      %dma_start3A_27 = arith.constant 0 : i32
      %dma_start3A_28 = tpu.memref_slice %arg9[%add3A_12, %dma_start3A_27] : memref<10112x128xf32, #tpu.memory_space<vmem_shared>> -> memref<128x128xf32, #tpu.memory_space<vmem_shared>>
      tpu.enqueue_dma source(%arg8 : memref<128x128xf32, #tpu.memory_space<vmem>>) target(%dma_start3A_28 : memref<128x128xf32, #tpu.memory_space<vmem_shared>>) target_semaphore(%run_scoped3A : memref<!tpu.dma_semaphore, #tpu.memory_space<semaphore_mem>>)
      %dma_wait3A = arith.constant 0 : i32
      %dma_wait3A_29 = tpu.memref_slice %arg9[%add3A_12, %dma_wait3A] : memref<10112x128xf32, #tpu.memory_space<vmem_shared>> -> memref<128x128xf32, #tpu.memory_space<vmem_shared>>
      %dma_wait3A_30 = arith.constant 0 : i32
      %dma_wait3A_31 = tpu.memref_slice %arg9[%add3A_12, %dma_wait3A_30] : memref<10112x128xf32, #tpu.memory_space<vmem_shared>> -> memref<128x128xf32, #tpu.memory_space<vmem_shared>>
      tpu.wait_dma2 semaphore(%run_scoped3A : memref<!tpu.dma_semaphore, #tpu.memory_space<semaphore_mem>>) src(%arg8 : memref<128x128xf32, #tpu.memory_space<vmem>>) dst(%dma_wait3A_31 : memref<128x128xf32, #tpu.memory_space<vmem_shared>>)
      tpu.yield
    }) : () -> ()
    %add3A_13 = arith.constant 256 : i32
    %add3A_14 = arith.addi %mul3A_2, %add3A_13 : i32
    "tpu.region"() ({
      %run_scoped3A = tpu.sem_alloc : memref<!tpu.dma_semaphore, #tpu.memory_space<semaphore_mem>>
      %dma_start3A = arith.constant 0 : i32
      %dma_start3A_26 = tpu.memref_slice %arg9[%add3A_14, %dma_start3A] : memref<10112x128xf32, #tpu.memory_space<vmem_shared>> -> memref<128x128xf32, #tpu.memory_space<vmem_shared>>
      %dma_start3A_27 = arith.constant 0 : i32
      %dma_start3A_28 = tpu.memref_slice %arg9[%add3A_14, %dma_start3A_27] : memref<10112x128xf32, #tpu.memory_space<vmem_shared>> -> memref<128x128xf32, #tpu.memory_space<vmem_shared>>
      tpu.enqueue_dma source(%arg8 : memref<128x128xf32, #tpu.memory_space<vmem>>) target(%dma_start3A_28 : memref<128x128xf32, #tpu.memory_space<vmem_shared>>) target_semaphore(%run_scoped3A : memref<!tpu.dma_semaphore, #tpu.memory_space<semaphore_mem>>)
      %dma_wait3A = arith.constant 0 : i32
      %dma_wait3A_29 = tpu.memref_slice %arg9[%add3A_14, %dma_wait3A] : memref<10112x128xf32, #tpu.memory_space<vmem_shared>> -> memref<128x128xf32, #tpu.memory_space<vmem_shared>>
      %dma_wait3A_30 = arith.constant 0 : i32
      %dma_wait3A_31 = tpu.memref_slice %arg9[%add3A_14, %dma_wait3A_30] : memref<10112x128xf32, #tpu.memory_space<vmem_shared>> -> memref<128x128xf32, #tpu.memory_space<vmem_shared>>
      tpu.wait_dma2 semaphore(%run_scoped3A : memref<!tpu.dma_semaphore, #tpu.memory_space<semaphore_mem>>) src(%arg8 : memref<128x128xf32, #tpu.memory_space<vmem>>) dst(%dma_wait3A_31 : memref<128x128xf32, #tpu.memory_space<vmem_shared>>)
      tpu.yield
    }) : () -> ()
    %add3A_15 = arith.constant 384 : i32
    %add3A_16 = arith.addi %mul3A_2, %add3A_15 : i32
    "tpu.region"() ({
      %run_scoped3A = tpu.sem_alloc : memref<!tpu.dma_semaphore, #tpu.memory_space<semaphore_mem>>
      %dma_start3A = arith.constant 0 : i32
      %dma_start3A_26 = tpu.memref_slice %arg9[%add3A_16, %dma_start3A] : memref<10112x128xf32, #tpu.memory_space<vmem_shared>> -> memref<128x128xf32, #tpu.memory_space<vmem_shared>>
      %dma_start3A_27 = arith.constant 0 : i32
      %dma_start3A_28 = tpu.memref_slice %arg9[%add3A_16, %dma_start3A_27] : memref<10112x128xf32, #tpu.memory_space<vmem_shared>> -> memref<128x128xf32, #tpu.memory_space<vmem_shared>>
      tpu.enqueue_dma source(%arg8 : memref<128x128xf32, #tpu.memory_space<vmem>>) target(%dma_start3A_28 : memref<128x128xf32, #tpu.memory_space<vmem_shared>>) target_semaphore(%run_scoped3A : memref<!tpu.dma_semaphore, #tpu.memory_space<semaphore_mem>>)
      %dma_wait3A = arith.constant 0 : i32
      %dma_wait3A_29 = tpu.memref_slice %arg9[%add3A_16, %dma_wait3A] : memref<10112x128xf32, #tpu.memory_space<vmem_shared>> -> memref<128x128xf32, #tpu.memory_space<vmem_shared>>
      %dma_wait3A_30 = arith.constant 0 : i32
      %dma_wait3A_31 = tpu.memref_slice %arg9[%add3A_16, %dma_wait3A_30] : memref<10112x128xf32, #tpu.memory_space<vmem_shared>> -> memref<128x128xf32, #tpu.memory_space<vmem_shared>>
      tpu.wait_dma2 semaphore(%run_scoped3A : memref<!tpu.dma_semaphore, #tpu.memory_space<semaphore_mem>>) src(%arg8 : memref<128x128xf32, #tpu.memory_space<vmem>>) dst(%dma_wait3A_31 : memref<128x128xf32, #tpu.memory_space<vmem_shared>>)
      tpu.yield
    }) : () -> ()
    %add3A_17 = arith.constant 512 : i32
    %add3A_18 = arith.addi %mul3A_2, %add3A_17 : i32
    "tpu.region"() ({
      %run_scoped3A = tpu.sem_alloc : memref<!tpu.dma_semaphore, #tpu.memory_space<semaphore_mem>>
      %dma_start3A = arith.constant 0 : i32
      %dma_start3A_26 = arith.constant 0 : i32
      %dma_start3A_27 = tpu.memref_slice %arg8[%dma_start3A, %dma_start3A_26] : memref<128x128xf32, #tpu.memory_space<vmem>> -> memref<120x128xf32, #tpu.memory_space<vmem>>
      %dma_start3A_28 = arith.constant 0 : i32
      %dma_start3A_29 = tpu.memref_slice %arg9[%add3A_18, %dma_start3A_28] : memref<10112x128xf32, #tpu.memory_space<vmem_shared>> -> memref<120x128xf32, #tpu.memory_space<vmem_shared>>
      %dma_start3A_30 = arith.constant 0 : i32
      %dma_start3A_31 = tpu.memref_slice %arg9[%add3A_18, %dma_start3A_30] : memref<10112x128xf32, #tpu.memory_space<vmem_shared>> -> memref<120x128xf32, #tpu.memory_space<vmem_shared>>
      %dma_start3A_32 = arith.constant 0 : i32
      %dma_start3A_33 = arith.constant 0 : i32
      %dma_start3A_34 = tpu.memref_slice %arg8[%dma_start3A_32, %dma_start3A_33] : memref<128x128xf32, #tpu.memory_space<vmem>> -> memref<120x128xf32, #tpu.memory_space<vmem>>
      tpu.enqueue_dma source(%dma_start3A_34 : memref<120x128xf32, #tpu.memory_space<vmem>>) target(%dma_start3A_31 : memref<120x128xf32, #tpu.memory_space<vmem_shared>>) target_semaphore(%run_scoped3A : memref<!tpu.dma_semaphore, #tpu.memory_space<semaphore_mem>>)
      %dma_wait3A = arith.constant 0 : i32
      %dma_wait3A_35 = arith.constant 0 : i32
      %dma_wait3A_36 = tpu.memref_slice %arg8[%dma_wait3A, %dma_wait3A_35] : memref<128x128xf32, #tpu.memory_space<vmem>> -> memref<120x128xf32, #tpu.memory_space<vmem>>
      %dma_wait3A_37 = arith.constant 0 : i32
      %dma_wait3A_38 = tpu.memref_slice %arg9[%add3A_18, %dma_wait3A_37] : memref<10112x128xf32, #tpu.memory_space<vmem_shared>> -> memref<120x128xf32, #tpu.memory_space<vmem_shared>>
      %dma_wait3A_39 = arith.constant 0 : i32
      %dma_wait3A_40 = tpu.memref_slice %arg9[%add3A_18, %dma_wait3A_39] : memref<10112x128xf32, #tpu.memory_space<vmem_shared>> -> memref<120x128xf32, #tpu.memory_space<vmem_shared>>
      %dma_wait3A_41 = arith.constant 0 : i32
      %dma_wait3A_42 = arith.constant 0 : i32
      %dma_wait3A_43 = tpu.memref_slice %arg8[%dma_wait3A_41, %dma_wait3A_42] : memref<128x128xf32, #tpu.memory_space<vmem>> -> memref<120x128xf32, #tpu.memory_space<vmem>>
      tpu.wait_dma2 semaphore(%run_scoped3A : memref<!tpu.dma_semaphore, #tpu.memory_space<semaphore_mem>>) src(%dma_wait3A_43 : memref<120x128xf32, #tpu.memory_space<vmem>>) dst(%dma_wait3A_40 : memref<120x128xf32, #tpu.memory_space<vmem_shared>>)
      tpu.yield
    }) : () -> ()
    %barrier3A = arith.constant 0 : index
    tpu.barrier barrier_id(%barrier3A)
    %scan3A_19 = arith.constant 0 : i32
    %scan3A_20 = arith.constant 0 : i32
    %scan3A_21 = arith.constant 79 : i32
    %scan3A_22 = arith.addi %scan3A_20, %scan3A_21 : i32
    %scan3A_23 = arith.constant 1 : i32
    scf.for %scan3A_26 = %scan3A_20 to %scan3A_22 step %scan3A_23  : i32 {
      "tpu.region"() ({
        %run_scoped3A = tpu.sem_alloc : memref<!tpu.dma_semaphore, #tpu.memory_space<semaphore_mem>>
        %dma_start3A_31 = arith.constant 0 : i32
        %dma_start3A_32 = tpu.memref_slice %arg3[%add3A, %scan3A_26, %dma_start3A_31] : memref<32x79x128xi32, #tpu.memory_space<hbm>> -> memref<1x1x128xi32, #tpu.memory_space<hbm>>
        %dma_start3A_33 = tpu.memref_squeeze %dma_start3A_32 : memref<1x1x128xi32, #tpu.memory_space<hbm>> -> memref<128xi32, #tpu.memory_space<hbm>>
        %dma_start3A_34 = arith.constant 0 : i32
        %dma_start3A_35 = tpu.memref_slice %arg3[%add3A, %scan3A_26, %dma_start3A_34] : memref<32x79x128xi32, #tpu.memory_space<hbm>> -> memref<1x1x128xi32, #tpu.memory_space<hbm>>
        %dma_start3A_36 = tpu.memref_squeeze %dma_start3A_35 : memref<1x1x128xi32, #tpu.memory_space<hbm>> -> memref<128xi32, #tpu.memory_space<hbm>>
        tpu.enqueue_dma source(%dma_start3A_36 : memref<128xi32, #tpu.memory_space<hbm>>) target(%arg6 : memref<128xi32, #tpu.memory_space<vmem>>) target_semaphore(%run_scoped3A : memref<!tpu.dma_semaphore, #tpu.memory_space<semaphore_mem>>)
        %dma_wait3A_37 = arith.constant 0 : i32
        %dma_wait3A_38 = tpu.memref_slice %arg3[%add3A, %scan3A_26, %dma_wait3A_37] : memref<32x79x128xi32, #tpu.memory_space<hbm>> -> memref<1x1x128xi32, #tpu.memory_space<hbm>>
        %dma_wait3A_39 = tpu.memref_squeeze %dma_wait3A_38 : memref<1x1x128xi32, #tpu.memory_space<hbm>> -> memref<128xi32, #tpu.memory_space<hbm>>
        %dma_wait3A_40 = arith.constant 0 : i32
        %dma_wait3A_41 = tpu.memref_slice %arg3[%add3A, %scan3A_26, %dma_wait3A_40] : memref<32x79x128xi32, #tpu.memory_space<hbm>> -> memref<1x1x128xi32, #tpu.memory_space<hbm>>
        %dma_wait3A_42 = tpu.memref_squeeze %dma_wait3A_41 : memref<1x1x128xi32, #tpu.memory_space<hbm>> -> memref<128xi32, #tpu.memory_space<hbm>>
        tpu.wait_dma2 semaphore(%run_scoped3A : memref<!tpu.dma_semaphore, #tpu.memory_space<semaphore_mem>>) src(%dma_wait3A_42 : memref<128xi32, #tpu.memory_space<hbm>>) dst(%arg6 : memref<128xi32, #tpu.memory_space<vmem>>)
        tpu.yield
      }) : () -> ()
      "tpu.region"() ({
        %run_scoped3A = tpu.sem_alloc : memref<!tpu.dma_semaphore, #tpu.memory_space<semaphore_mem>>
        %dma_start3A_31 = arith.constant 0 : i32
        %dma_start3A_32 = tpu.memref_slice %arg4[%add3A, %scan3A_26, %dma_start3A_31] : memref<32x79x128xi32, #tpu.memory_space<hbm>> -> memref<1x1x128xi32, #tpu.memory_space<hbm>>
        %dma_start3A_33 = tpu.memref_squeeze %dma_start3A_32 : memref<1x1x128xi32, #tpu.memory_space<hbm>> -> memref<128xi32, #tpu.memory_space<hbm>>
        %dma_start3A_34 = arith.constant 0 : i32
        %dma_start3A_35 = tpu.memref_slice %arg4[%add3A, %scan3A_26, %dma_start3A_34] : memref<32x79x128xi32, #tpu.memory_space<hbm>> -> memref<1x1x128xi32, #tpu.memory_space<hbm>>
        %dma_start3A_36 = tpu.memref_squeeze %dma_start3A_35 : memref<1x1x128xi32, #tpu.memory_space<hbm>> -> memref<128xi32, #tpu.memory_space<hbm>>
        tpu.enqueue_dma source(%dma_start3A_36 : memref<128xi32, #tpu.memory_space<hbm>>) target(%arg7 : memref<128xi32, #tpu.memory_space<vmem>>) target_semaphore(%run_scoped3A : memref<!tpu.dma_semaphore, #tpu.memory_space<semaphore_mem>>)
        %dma_wait3A_37 = arith.constant 0 : i32
        %dma_wait3A_38 = tpu.memref_slice %arg4[%add3A, %scan3A_26, %dma_wait3A_37] : memref<32x79x128xi32, #tpu.memory_space<hbm>> -> memref<1x1x128xi32, #tpu.memory_space<hbm>>
        %dma_wait3A_39 = tpu.memref_squeeze %dma_wait3A_38 : memref<1x1x128xi32, #tpu.memory_space<hbm>> -> memref<128xi32, #tpu.memory_space<hbm>>
        %dma_wait3A_40 = arith.constant 0 : i32
        %dma_wait3A_41 = tpu.memref_slice %arg4[%add3A, %scan3A_26, %dma_wait3A_40] : memref<32x79x128xi32, #tpu.memory_space<hbm>> -> memref<1x1x128xi32, #tpu.memory_space<hbm>>
        %dma_wait3A_42 = tpu.memref_squeeze %dma_wait3A_41 : memref<1x1x128xi32, #tpu.memory_space<hbm>> -> memref<128xi32, #tpu.memory_space<hbm>>
        tpu.wait_dma2 semaphore(%run_scoped3A : memref<!tpu.dma_semaphore, #tpu.memory_space<semaphore_mem>>) src(%dma_wait3A_42 : memref<128xi32, #tpu.memory_space<hbm>>) dst(%arg7 : memref<128xi32, #tpu.memory_space<vmem>>)
        tpu.yield
      }) : () -> ()
      %dma_start3A = arith.constant 0 : i32
      %dma_start3A_27 = arith.constant 0 : i32
      %dma_start3A_28 = tpu.memref_slice %arg2[%dma_start3A, %dma_start3A_27] : memref<140000x128xf32, #tpu.memory_space<hbm>> -> memref<140000x128xf32, #tpu.memory_space<hbm>>
      tpu.enqueue_indirect_dma source(%dma_start3A_28 : memref<140000x128xf32, #tpu.memory_space<hbm>>) target(%arg8 : memref<128x128xf32, #tpu.memory_space<vmem>>) offsets(%arg6 : memref<128xi32, #tpu.memory_space<vmem>>) semaphore(%arg10 : memref<!tpu.dma_semaphore, #tpu.memory_space<semaphore_mem>>)
      %dma_wait3A = arith.constant 0 : i32
      %dma_wait3A_29 = arith.constant 0 : i32
      %dma_wait3A_30 = tpu.memref_slice %arg2[%dma_wait3A, %dma_wait3A_29] : memref<140000x128xf32, #tpu.memory_space<hbm>> -> memref<140000x128xf32, #tpu.memory_space<hbm>>
      tpu.wait_indirect_dma semaphore(%arg10 : memref<!tpu.dma_semaphore, #tpu.memory_space<semaphore_mem>>) src(%dma_wait3A_30 : memref<140000x128xf32, #tpu.memory_space<hbm>>) dst(%arg8 : memref<128x128xf32, #tpu.memory_space<vmem>>)
      "tpu.region"() ({
        %run_scoped3A = tpu.sem_alloc : memref<!tpu.dma_semaphore, #tpu.memory_space<semaphore_mem>>
        %dma_start3A_31 = arith.constant 0 : i32
        %dma_start3A_32 = arith.constant 0 : i32
        %dma_start3A_33 = tpu.memref_slice %arg9[%dma_start3A_31, %dma_start3A_32] : memref<10112x128xf32, #tpu.memory_space<vmem_shared>> -> memref<10112x128xf32, #tpu.memory_space<vmem_shared>>
        tpu.enqueue_indirect_dma source(%arg8 : memref<128x128xf32, #tpu.memory_space<vmem>>) target(%dma_start3A_33 : memref<10112x128xf32, #tpu.memory_space<vmem_shared>>) offsets(%arg7 : memref<128xi32, #tpu.memory_space<vmem>>) semaphore(%run_scoped3A : memref<!tpu.dma_semaphore, #tpu.memory_space<semaphore_mem>>) {add = true}
        %dma_wait3A_34 = arith.constant 0 : i32
        %dma_wait3A_35 = arith.constant 0 : i32
        %dma_wait3A_36 = tpu.memref_slice %arg9[%dma_wait3A_34, %dma_wait3A_35] : memref<10112x128xf32, #tpu.memory_space<vmem_shared>> -> memref<10112x128xf32, #tpu.memory_space<vmem_shared>>
        tpu.wait_indirect_dma semaphore(%run_scoped3A : memref<!tpu.dma_semaphore, #tpu.memory_space<semaphore_mem>>) src(%arg8 : memref<128x128xf32, #tpu.memory_space<vmem>>) dst(%dma_wait3A_36 : memref<10112x128xf32, #tpu.memory_space<vmem_shared>>)
        tpu.yield
      }) : () -> ()
    }
    %scan3A_24 = arith.constant 79 : i32
    %barrier3A_25 = arith.constant 0 : index
    tpu.barrier barrier_id(%barrier3A_25)
    "tpu.region"() ({
      %run_scoped3A = tpu.sem_alloc : memref<!tpu.dma_semaphore, #tpu.memory_space<semaphore_mem>>
      %dma_start3A = arith.constant 0 : i32
      %dma_start3A_26 = tpu.memref_slice %arg5[%arg0, %mul3A_2, %dma_start3A] : memref<2x10112x128xf32, #tpu.memory_space<hbm>> -> memref<1x632x128xf32, #tpu.memory_space<hbm>>
      %dma_start3A_27 = tpu.memref_squeeze %dma_start3A_26 : memref<1x632x128xf32, #tpu.memory_space<hbm>> -> memref<632x128xf32, #tpu.memory_space<hbm>>
      %dma_start3A_28 = arith.constant 0 : i32
      %dma_start3A_29 = tpu.memref_slice %arg9[%mul3A_2, %dma_start3A_28] : memref<10112x128xf32, #tpu.memory_space<vmem_shared>> -> memref<632x128xf32, #tpu.memory_space<vmem_shared>>
      tpu.enqueue_dma source(%dma_start3A_29 : memref<632x128xf32, #tpu.memory_space<vmem_shared>>) target(%dma_start3A_27 : memref<632x128xf32, #tpu.memory_space<hbm>>) target_semaphore(%run_scoped3A : memref<!tpu.dma_semaphore, #tpu.memory_space<semaphore_mem>>)
      %dma_wait3A = arith.constant 0 : i32
      %dma_wait3A_30 = tpu.memref_slice %arg5[%arg0, %mul3A_2, %dma_wait3A] : memref<2x10112x128xf32, #tpu.memory_space<hbm>> -> memref<1x632x128xf32, #tpu.memory_space<hbm>>
      %dma_wait3A_31 = tpu.memref_squeeze %dma_wait3A_30 : memref<1x632x128xf32, #tpu.memory_space<hbm>> -> memref<632x128xf32, #tpu.memory_space<hbm>>
      %dma_wait3A_32 = arith.constant 0 : i32
      %dma_wait3A_33 = tpu.memref_slice %arg9[%mul3A_2, %dma_wait3A_32] : memref<10112x128xf32, #tpu.memory_space<vmem_shared>> -> memref<632x128xf32, #tpu.memory_space<vmem_shared>>
      tpu.wait_dma2 semaphore(%run_scoped3A : memref<!tpu.dma_semaphore, #tpu.memory_space<semaphore_mem>>) src(%dma_wait3A_33 : memref<632x128xf32, #tpu.memory_space<vmem_shared>>) dst(%dma_wait3A_31 : memref<632x128xf32, #tpu.memory_space<hbm>>)
      tpu.yield
    }) : () -> ()
    return
  }
}

#map = affine_map<(d0, d1) -> (0, 0)>
#map1 = affine_map<(d0, d1) -> (0, 0, 0)>
module attributes {stable_mosaic.version = 14 : i64} {
  func.func @k(%arg0: i32, %arg1: i32, %arg2: memref<140000x128xf32, #tpu.memory_space<hbm>>, %arg3: memref<32x79x128xi32, #tpu.memory_space<hbm>>, %arg4: memref<32x79x128xi32, #tpu.memory_space<hbm>>, %arg5: memref<2x10112x128xf32, #tpu.memory_space<hbm>>, %arg6: memref<128xi32, #tpu.memory_space<vmem>>, %arg7: memref<128xi32, #tpu.memory_space<vmem>>, %arg8: memref<128x128xf32, #tpu.memory_space<vmem>>, %arg9: memref<10112x128xf32, #tpu.memory_space<vmem_shared>>, %arg10: memref<!tpu.dma_semaphore, #tpu.memory_space<semaphore_mem>>) attributes {dimension_semantics = [#tpu.dimension_semantics<core_parallel>, #tpu.dimension_semantics<subcore_parallel>], iteration_bounds = array<i64: 2, 16>, scalar_prefetch = 0 : i64, scratch_operands = 5 : i64, tpu.core_type = #tpu.core_type<sc_vector_subcore>, window_params = [{transform_indices = #map}, {transform_indices = #map1}, {transform_indices = #map1}, {transform_indices = #map1}]} {
    %mul3A = arith.constant 2 : i32
    %mul3A_0 = arith.muli %arg1, %mul3A : i32
    %add3A = arith.addi %mul3A_0, %arg0 : i32
    %mul3A_1 = arith.constant 632 : i32
    %mul3A_2 = arith.muli %arg1, %mul3A_1 : i32
    %broadcast_in_dim3A = arith.constant 0.000000e+00 : f32
    %broadcast_in_dim3A_3 = vector.broadcast %broadcast_in_dim3A : f32 to vector<16xf32>
    %scan3A = arith.constant 0 : i32
    %scan3A_4 = arith.constant 0 : i32
    %scan3A_5 = arith.constant 128 : i32
    %scan3A_6 = arith.addi %scan3A_4, %scan3A_5 : i32
    %scan3A_7 = arith.constant 1 : i32
    scf.for %scan3A_26 = %scan3A_4 to %scan3A_6 step %scan3A_7  : i32 {
      %swap3A = arith.index_cast %scan3A_26 : i32 to index
      %swap3A_27 = arith.constant 0 : index
      %swap3A_28 = tpu.vector_load %arg8[%swap3A, %swap3A_27] {strides = array<i32>} : memref<128x128xf32, #tpu.memory_space<vmem>>, vector<1x16xf32>,
      %swap3A_29 = vector.shape_cast %swap3A_28 : vector<1x16xf32> to vector<16xf32>
      %swap3A_30 = vector.shape_cast %broadcast_in_dim3A_3 : vector<16xf32> to vector<1x16xf32>
      tpu.vector_store %arg8[%swap3A, %swap3A_27], %swap3A_30 {strides = array<i32>} : memref<128x128xf32, #tpu.memory_space<vmem>>, vector<1x16xf32>,
      %swap3A_31 = arith.index_cast %scan3A_26 : i32 to index
      %swap3A_32 = arith.constant 16 : index
      %swap3A_33 = tpu.vector_load %arg8[%swap3A_31, %swap3A_32] {strides = array<i32>} : memref<128x128xf32, #tpu.memory_space<vmem>>, vector<1x16xf32>,
      %swap3A_34 = vector.shape_cast %swap3A_33 : vector<1x16xf32> to vector<16xf32>
      %swap3A_35 = vector.shape_cast %broadcast_in_dim3A_3 : vector<16xf32> to vector<1x16xf32>
      tpu.vector_store %arg8[%swap3A_31, %swap3A_32], %swap3A_35 {strides = array<i32>} : memref<128x128xf32, #tpu.memory_space<vmem>>, vector<1x16xf32>,
      %swap3A_36 = arith.index_cast %scan3A_26 : i32 to index
      %swap3A_37 = arith.constant 32 : index
      %swap3A_38 = tpu.vector_load %arg8[%swap3A_36, %swap3A_37] {strides = array<i32>} : memref<128x128xf32, #tpu.memory_space<vmem>>, vector<1x16xf32>,
      %swap3A_39 = vector.shape_cast %swap3A_38 : vector<1x16xf32> to vector<16xf32>
      %swap3A_40 = vector.shape_cast %broadcast_in_dim3A_3 : vector<16xf32> to vector<1x16xf32>
      tpu.vector_store %arg8[%swap3A_36, %swap3A_37], %swap3A_40 {strides = array<i32>} : memref<128x128xf32, #tpu.memory_space<vmem>>, vector<1x16xf32>,
      %swap3A_41 = arith.index_cast %scan3A_26 : i32 to index
      %swap3A_42 = arith.constant 48 : index
      %swap3A_43 = tpu.vector_load %arg8[%swap3A_41, %swap3A_42] {strides = array<i32>} : memref<128x128xf32, #tpu.memory_space<vmem>>, vector<1x16xf32>,
      %swap3A_44 = vector.shape_cast %swap3A_43 : vector<1x16xf32> to vector<16xf32>
      %swap3A_45 = vector.shape_cast %broadcast_in_dim3A_3 : vector<16xf32> to vector<1x16xf32>
      tpu.vector_store %arg8[%swap3A_41, %swap3A_42], %swap3A_45 {strides = array<i32>} : memref<128x128xf32, #tpu.memory_space<vmem>>, vector<1x16xf32>,
      %swap3A_46 = arith.index_cast %scan3A_26 : i32 to index
      %swap3A_47 = arith.constant 64 : index
      %swap3A_48 = tpu.vector_load %arg8[%swap3A_46, %swap3A_47] {strides = array<i32>} : memref<128x128xf32, #tpu.memory_space<vmem>>, vector<1x16xf32>,
      %swap3A_49 = vector.shape_cast %swap3A_48 : vector<1x16xf32> to vector<16xf32>
      %swap3A_50 = vector.shape_cast %broadcast_in_dim3A_3 : vector<16xf32> to vector<1x16xf32>
      tpu.vector_store %arg8[%swap3A_46, %swap3A_47], %swap3A_50 {strides = array<i32>} : memref<128x128xf32, #tpu.memory_space<vmem>>, vector<1x16xf32>,
      %swap3A_51 = arith.index_cast %scan3A_26 : i32 to index
      %swap3A_52 = arith.constant 80 : index
      %swap3A_53 = tpu.vector_load %arg8[%swap3A_51, %swap3A_52] {strides = array<i32>} : memref<128x128xf32, #tpu.memory_space<vmem>>, vector<1x16xf32>,
      %swap3A_54 = vector.shape_cast %swap3A_53 : vector<1x16xf32> to vector<16xf32>
      %swap3A_55 = vector.shape_cast %broadcast_in_dim3A_3 : vector<16xf32> to vector<1x16xf32>
      tpu.vector_store %arg8[%swap3A_51, %swap3A_52], %swap3A_55 {strides = array<i32>} : memref<128x128xf32, #tpu.memory_space<vmem>>, vector<1x16xf32>,
      %swap3A_56 = arith.index_cast %scan3A_26 : i32 to index
      %swap3A_57 = arith.constant 96 : index
      %swap3A_58 = tpu.vector_load %arg8[%swap3A_56, %swap3A_57] {strides = array<i32>} : memref<128x128xf32, #tpu.memory_space<vmem>>, vector<1x16xf32>,
      %swap3A_59 = vector.shape_cast %swap3A_58 : vector<1x16xf32> to vector<16xf32>
      %swap3A_60 = vector.shape_cast %broadcast_in_dim3A_3 : vector<16xf32> to vector<1x16xf32>
      tpu.vector_store %arg8[%swap3A_56, %swap3A_57], %swap3A_60 {strides = array<i32>} : memref<128x128xf32, #tpu.memory_space<vmem>>, vector<1x16xf32>,
      %swap3A_61 = arith.index_cast %scan3A_26 : i32 to index
      %swap3A_62 = arith.constant 112 : index
      %swap3A_63 = tpu.vector_load %arg8[%swap3A_61, %swap3A_62] {strides = array<i32>} : memref<128x128xf32, #tpu.memory_space<vmem>>, vector<1x16xf32>,
      %swap3A_64 = vector.shape_cast %swap3A_63 : vector<1x16xf32> to vector<16xf32>
      %swap3A_65 = vector.shape_cast %broadcast_in_dim3A_3 : vector<16xf32> to vector<1x16xf32>
      tpu.vector_store %arg8[%swap3A_61, %swap3A_62], %swap3A_65 {strides = array<i32>} : memref<128x128xf32, #tpu.memory_space<vmem>>, vector<1x16xf32>,
    }
    %scan3A_8 = arith.constant 128 : i32
    %add3A_9 = arith.constant 0 : i32
    %add3A_10 = arith.addi %mul3A_2, %add3A_9 : i32
    "tpu.region"() ({
      %run_scoped3A = tpu.sem_alloc : memref<!tpu.dma_semaphore, #tpu.memory_space<semaphore_mem>>
      %dma_start3A = arith.constant 0 : i32
      %dma_start3A_26 = tpu.memref_slice %arg9[%add3A_10, %dma_start3A] : memref<10112x128xf32, #tpu.memory_space<vmem_shared>> -> memref<128x128xf32, #tpu.memory_space<vmem_shared>>
      %dma_start3A_27 = arith.constant 0 : i32
      %dma_start3A_28 = tpu.memref_slice %arg9[%add3A_10, %dma_start3A_27] : memref<10112x128xf32, #tpu.memory_space<vmem_shared>> -> memref<128x128xf32, #tpu.memory_space<vmem_shared>>
      tpu.enqueue_dma source(%arg8 : memref<128x128xf32, #tpu.memory_space<vmem>>) target(%dma_start3A_28 : memref<128x128xf32, #tpu.memory_space<vmem_shared>>) target_semaphore(%run_scoped3A : memref<!tpu.dma_semaphore, #tpu.memory_space<semaphore_mem>>)
      %dma_wait3A = arith.constant 0 : i32
      %dma_wait3A_29 = tpu.memref_slice %arg9[%add3A_10, %dma_wait3A] : memref<10112x128xf32, #tpu.memory_space<vmem_shared>> -> memref<128x128xf32, #tpu.memory_space<vmem_shared>>
      %dma_wait3A_30 = arith.constant 0 : i32
      %dma_wait3A_31 = tpu.memref_slice %arg9[%add3A_10, %dma_wait3A_30] : memref<10112x128xf32, #tpu.memory_space<vmem_shared>> -> memref<128x128xf32, #tpu.memory_space<vmem_shared>>
      tpu.wait_dma2 semaphore(%run_scoped3A : memref<!tpu.dma_semaphore, #tpu.memory_space<semaphore_mem>>) src(%arg8 : memref<128x128xf32, #tpu.memory_space<vmem>>) dst(%dma_wait3A_31 : memref<128x128xf32, #tpu.memory_space<vmem_shared>>)
      tpu.yield
    }) : () -> ()
    %add3A_11 = arith.constant 128 : i32
    %add3A_12 = arith.addi %mul3A_2, %add3A_11 : i32
    "tpu.region"() ({
      %run_scoped3A = tpu.sem_alloc : memref<!tpu.dma_semaphore, #tpu.memory_space<semaphore_mem>>
      %dma_start3A = arith.constant 0 : i32
      %dma_start3A_26 = tpu.memref_slice %arg9[%add3A_12, %dma_start3A] : memref<10112x128xf32, #tpu.memory_space<vmem_shared>> -> memref<128x128xf32, #tpu.memory_space<vmem_shared>>
      %dma_start3A_27 = arith.constant 0 : i32
      %dma_start3A_28 = tpu.memref_slice %arg9[%add3A_12, %dma_start3A_27] : memref<10112x128xf32, #tpu.memory_space<vmem_shared>> -> memref<128x128xf32, #tpu.memory_space<vmem_shared>>
      tpu.enqueue_dma source(%arg8 : memref<128x128xf32, #tpu.memory_space<vmem>>) target(%dma_start3A_28 : memref<128x128xf32, #tpu.memory_space<vmem_shared>>) target_semaphore(%run_scoped3A : memref<!tpu.dma_semaphore, #tpu.memory_space<semaphore_mem>>)
      %dma_wait3A = arith.constant 0 : i32
      %dma_wait3A_29 = tpu.memref_slice %arg9[%add3A_12, %dma_wait3A] : memref<10112x128xf32, #tpu.memory_space<vmem_shared>> -> memref<128x128xf32, #tpu.memory_space<vmem_shared>>
      %dma_wait3A_30 = arith.constant 0 : i32
      %dma_wait3A_31 = tpu.memref_slice %arg9[%add3A_12, %dma_wait3A_30] : memref<10112x128xf32, #tpu.memory_space<vmem_shared>> -> memref<128x128xf32, #tpu.memory_space<vmem_shared>>
      tpu.wait_dma2 semaphore(%run_scoped3A : memref<!tpu.dma_semaphore, #tpu.memory_space<semaphore_mem>>) src(%arg8 : memref<128x128xf32, #tpu.memory_space<vmem>>) dst(%dma_wait3A_31 : memref<128x128xf32, #tpu.memory_space<vmem_shared>>)
      tpu.yield
    }) : () -> ()
    %add3A_13 = arith.constant 256 : i32
    %add3A_14 = arith.addi %mul3A_2, %add3A_13 : i32
    "tpu.region"() ({
      %run_scoped3A = tpu.sem_alloc : memref<!tpu.dma_semaphore, #tpu.memory_space<semaphore_mem>>
      %dma_start3A = arith.constant 0 : i32
      %dma_start3A_26 = tpu.memref_slice %arg9[%add3A_14, %dma_start3A] : memref<10112x128xf32, #tpu.memory_space<vmem_shared>> -> memref<128x128xf32, #tpu.memory_space<vmem_shared>>
      %dma_start3A_27 = arith.constant 0 : i32
      %dma_start3A_28 = tpu.memref_slice %arg9[%add3A_14, %dma_start3A_27] : memref<10112x128xf32, #tpu.memory_space<vmem_shared>> -> memref<128x128xf32, #tpu.memory_space<vmem_shared>>
      tpu.enqueue_dma source(%arg8 : memref<128x128xf32, #tpu.memory_space<vmem>>) target(%dma_start3A_28 : memref<128x128xf32, #tpu.memory_space<vmem_shared>>) target_semaphore(%run_scoped3A : memref<!tpu.dma_semaphore, #tpu.memory_space<semaphore_mem>>)
      %dma_wait3A = arith.constant 0 : i32
      %dma_wait3A_29 = tpu.memref_slice %arg9[%add3A_14, %dma_wait3A] : memref<10112x128xf32, #tpu.memory_space<vmem_shared>> -> memref<128x128xf32, #tpu.memory_space<vmem_shared>>
      %dma_wait3A_30 = arith.constant 0 : i32
      %dma_wait3A_31 = tpu.memref_slice %arg9[%add3A_14, %dma_wait3A_30] : memref<10112x128xf32, #tpu.memory_space<vmem_shared>> -> memref<128x128xf32, #tpu.memory_space<vmem_shared>>
      tpu.wait_dma2 semaphore(%run_scoped3A : memref<!tpu.dma_semaphore, #tpu.memory_space<semaphore_mem>>) src(%arg8 : memref<128x128xf32, #tpu.memory_space<vmem>>) dst(%dma_wait3A_31 : memref<128x128xf32, #tpu.memory_space<vmem_shared>>)
      tpu.yield
    }) : () -> ()
    %add3A_15 = arith.constant 384 : i32
    %add3A_16 = arith.addi %mul3A_2, %add3A_15 : i32
    "tpu.region"() ({
      %run_scoped3A = tpu.sem_alloc : memref<!tpu.dma_semaphore, #tpu.memory_space<semaphore_mem>>
      %dma_start3A = arith.constant 0 : i32
      %dma_start3A_26 = tpu.memref_slice %arg9[%add3A_16, %dma_start3A] : memref<10112x128xf32, #tpu.memory_space<vmem_shared>> -> memref<128x128xf32, #tpu.memory_space<vmem_shared>>
      %dma_start3A_27 = arith.constant 0 : i32
      %dma_start3A_28 = tpu.memref_slice %arg9[%add3A_16, %dma_start3A_27] : memref<10112x128xf32, #tpu.memory_space<vmem_shared>> -> memref<128x128xf32, #tpu.memory_space<vmem_shared>>
      tpu.enqueue_dma source(%arg8 : memref<128x128xf32, #tpu.memory_space<vmem>>) target(%dma_start3A_28 : memref<128x128xf32, #tpu.memory_space<vmem_shared>>) target_semaphore(%run_scoped3A : memref<!tpu.dma_semaphore, #tpu.memory_space<semaphore_mem>>)
      %dma_wait3A = arith.constant 0 : i32
      %dma_wait3A_29 = tpu.memref_slice %arg9[%add3A_16, %dma_wait3A] : memref<10112x128xf32, #tpu.memory_space<vmem_shared>> -> memref<128x128xf32, #tpu.memory_space<vmem_shared>>
      %dma_wait3A_30 = arith.constant 0 : i32
      %dma_wait3A_31 = tpu.memref_slice %arg9[%add3A_16, %dma_wait3A_30] : memref<10112x128xf32, #tpu.memory_space<vmem_shared>> -> memref<128x128xf32, #tpu.memory_space<vmem_shared>>
      tpu.wait_dma2 semaphore(%run_scoped3A : memref<!tpu.dma_semaphore, #tpu.memory_space<semaphore_mem>>) src(%arg8 : memref<128x128xf32, #tpu.memory_space<vmem>>) dst(%dma_wait3A_31 : memref<128x128xf32, #tpu.memory_space<vmem_shared>>)
      tpu.yield
    }) : () -> ()
    %add3A_17 = arith.constant 512 : i32
    %add3A_18 = arith.addi %mul3A_2, %add3A_17 : i32
    "tpu.region"() ({
      %run_scoped3A = tpu.sem_alloc : memref<!tpu.dma_semaphore, #tpu.memory_space<semaphore_mem>>
      %dma_start3A = arith.constant 0 : i32
      %dma_start3A_26 = arith.constant 0 : i32
      %dma_start3A_27 = tpu.memref_slice %arg8[%dma_start3A, %dma_start3A_26] : memref<128x128xf32, #tpu.memory_space<vmem>> -> memref<120x128xf32, #tpu.memory_space<vmem>>
      %dma_start3A_28 = arith.constant 0 : i32
      %dma_start3A_29 = tpu.memref_slice %arg9[%add3A_18, %dma_start3A_28] : memref<10112x128xf32, #tpu.memory_space<vmem_shared>> -> memref<120x128xf32, #tpu.memory_space<vmem_shared>>
      %dma_start3A_30 = arith.constant 0 : i32
      %dma_start3A_31 = tpu.memref_slice %arg9[%add3A_18, %dma_start3A_30] : memref<10112x128xf32, #tpu.memory_space<vmem_shared>> -> memref<120x128xf32, #tpu.memory_space<vmem_shared>>
      %dma_start3A_32 = arith.constant 0 : i32
      %dma_start3A_33 = arith.constant 0 : i32
      %dma_start3A_34 = tpu.memref_slice %arg8[%dma_start3A_32, %dma_start3A_33] : memref<128x128xf32, #tpu.memory_space<vmem>> -> memref<120x128xf32, #tpu.memory_space<vmem>>
      tpu.enqueue_dma source(%dma_start3A_34 : memref<120x128xf32, #tpu.memory_space<vmem>>) target(%dma_start3A_31 : memref<120x128xf32, #tpu.memory_space<vmem_shared>>) target_semaphore(%run_scoped3A : memref<!tpu.dma_semaphore, #tpu.memory_space<semaphore_mem>>)
      %dma_wait3A = arith.constant 0 : i32
      %dma_wait3A_35 = arith.constant 0 : i32
      %dma_wait3A_36 = tpu.memref_slice %arg8[%dma_wait3A, %dma_wait3A_35] : memref<128x128xf32, #tpu.memory_space<vmem>> -> memref<120x128xf32, #tpu.memory_space<vmem>>
      %dma_wait3A_37 = arith.constant 0 : i32
      %dma_wait3A_38 = tpu.memref_slice %arg9[%add3A_18, %dma_wait3A_37] : memref<10112x128xf32, #tpu.memory_space<vmem_shared>> -> memref<120x128xf32, #tpu.memory_space<vmem_shared>>
      %dma_wait3A_39 = arith.constant 0 : i32
      %dma_wait3A_40 = tpu.memref_slice %arg9[%add3A_18, %dma_wait3A_39] : memref<10112x128xf32, #tpu.memory_space<vmem_shared>> -> memref<120x128xf32, #tpu.memory_space<vmem_shared>>
      %dma_wait3A_41 = arith.constant 0 : i32
      %dma_wait3A_42 = arith.constant 0 : i32
      %dma_wait3A_43 = tpu.memref_slice %arg8[%dma_wait3A_41, %dma_wait3A_42] : memref<128x128xf32, #tpu.memory_space<vmem>> -> memref<120x128xf32, #tpu.memory_space<vmem>>
      tpu.wait_dma2 semaphore(%run_scoped3A : memref<!tpu.dma_semaphore, #tpu.memory_space<semaphore_mem>>) src(%dma_wait3A_43 : memref<120x128xf32, #tpu.memory_space<vmem>>) dst(%dma_wait3A_40 : memref<120x128xf32, #tpu.memory_space<vmem_shared>>)
      tpu.yield
    }) : () -> ()
    %barrier3A = arith.constant 0 : index
    tpu.barrier barrier_id(%barrier3A)
    %scan3A_19 = arith.constant 0 : i32
    %scan3A_20 = arith.constant 0 : i32
    %scan3A_21 = arith.constant 79 : i32
    %scan3A_22 = arith.addi %scan3A_20, %scan3A_21 : i32
    %scan3A_23 = arith.constant 1 : i32
    scf.for %scan3A_26 = %scan3A_20 to %scan3A_22 step %scan3A_23  : i32 {
      "tpu.region"() ({
        %run_scoped3A = tpu.sem_alloc : memref<!tpu.dma_semaphore, #tpu.memory_space<semaphore_mem>>
        %dma_start3A_31 = arith.constant 0 : i32
        %dma_start3A_32 = tpu.memref_slice %arg3[%add3A, %scan3A_26, %dma_start3A_31] : memref<32x79x128xi32, #tpu.memory_space<hbm>> -> memref<1x1x128xi32, #tpu.memory_space<hbm>>
        %dma_start3A_33 = tpu.memref_squeeze %dma_start3A_32 : memref<1x1x128xi32, #tpu.memory_space<hbm>> -> memref<128xi32, #tpu.memory_space<hbm>>
        %dma_start3A_34 = arith.constant 0 : i32
        %dma_start3A_35 = tpu.memref_slice %arg3[%add3A, %scan3A_26, %dma_start3A_34] : memref<32x79x128xi32, #tpu.memory_space<hbm>> -> memref<1x1x128xi32, #tpu.memory_space<hbm>>
        %dma_start3A_36 = tpu.memref_squeeze %dma_start3A_35 : memref<1x1x128xi32, #tpu.memory_space<hbm>> -> memref<128xi32, #tpu.memory_space<hbm>>
        tpu.enqueue_dma source(%dma_start3A_36 : memref<128xi32, #tpu.memory_space<hbm>>) target(%arg6 : memref<128xi32, #tpu.memory_space<vmem>>) target_semaphore(%run_scoped3A : memref<!tpu.dma_semaphore, #tpu.memory_space<semaphore_mem>>)
        %dma_wait3A_37 = arith.constant 0 : i32
        %dma_wait3A_38 = tpu.memref_slice %arg3[%add3A, %scan3A_26, %dma_wait3A_37] : memref<32x79x128xi32, #tpu.memory_space<hbm>> -> memref<1x1x128xi32, #tpu.memory_space<hbm>>
        %dma_wait3A_39 = tpu.memref_squeeze %dma_wait3A_38 : memref<1x1x128xi32, #tpu.memory_space<hbm>> -> memref<128xi32, #tpu.memory_space<hbm>>
        %dma_wait3A_40 = arith.constant 0 : i32
        %dma_wait3A_41 = tpu.memref_slice %arg3[%add3A, %scan3A_26, %dma_wait3A_40] : memref<32x79x128xi32, #tpu.memory_space<hbm>> -> memref<1x1x128xi32, #tpu.memory_space<hbm>>
        %dma_wait3A_42 = tpu.memref_squeeze %dma_wait3A_41 : memref<1x1x128xi32, #tpu.memory_space<hbm>> -> memref<128xi32, #tpu.memory_space<hbm>>
        tpu.wait_dma2 semaphore(%run_scoped3A : memref<!tpu.dma_semaphore, #tpu.memory_space<semaphore_mem>>) src(%dma_wait3A_42 : memref<128xi32, #tpu.memory_space<hbm>>) dst(%arg6 : memref<128xi32, #tpu.memory_space<vmem>>)
        tpu.yield
      }) : () -> ()
      "tpu.region"() ({
        %run_scoped3A = tpu.sem_alloc : memref<!tpu.dma_semaphore, #tpu.memory_space<semaphore_mem>>
        %dma_start3A_31 = arith.constant 0 : i32
        %dma_start3A_32 = tpu.memref_slice %arg4[%add3A, %scan3A_26, %dma_start3A_31] : memref<32x79x128xi32, #tpu.memory_space<hbm>> -> memref<1x1x128xi32, #tpu.memory_space<hbm>>
        %dma_start3A_33 = tpu.memref_squeeze %dma_start3A_32 : memref<1x1x128xi32, #tpu.memory_space<hbm>> -> memref<128xi32, #tpu.memory_space<hbm>>
        %dma_start3A_34 = arith.constant 0 : i32
        %dma_start3A_35 = tpu.memref_slice %arg4[%add3A, %scan3A_26, %dma_start3A_34] : memref<32x79x128xi32, #tpu.memory_space<hbm>> -> memref<1x1x128xi32, #tpu.memory_space<hbm>>
        %dma_start3A_36 = tpu.memref_squeeze %dma_start3A_35 : memref<1x1x128xi32, #tpu.memory_space<hbm>> -> memref<128xi32, #tpu.memory_space<hbm>>
        tpu.enqueue_dma source(%dma_start3A_36 : memref<128xi32, #tpu.memory_space<hbm>>) target(%arg7 : memref<128xi32, #tpu.memory_space<vmem>>) target_semaphore(%run_scoped3A : memref<!tpu.dma_semaphore, #tpu.memory_space<semaphore_mem>>)
        %dma_wait3A_37 = arith.constant 0 : i32
        %dma_wait3A_38 = tpu.memref_slice %arg4[%add3A, %scan3A_26, %dma_wait3A_37] : memref<32x79x128xi32, #tpu.memory_space<hbm>> -> memref<1x1x128xi32, #tpu.memory_space<hbm>>
        %dma_wait3A_39 = tpu.memref_squeeze %dma_wait3A_38 : memref<1x1x128xi32, #tpu.memory_space<hbm>> -> memref<128xi32, #tpu.memory_space<hbm>>
        %dma_wait3A_40 = arith.constant 0 : i32
        %dma_wait3A_41 = tpu.memref_slice %arg4[%add3A, %scan3A_26, %dma_wait3A_40] : memref<32x79x128xi32, #tpu.memory_space<hbm>> -> memref<1x1x128xi32, #tpu.memory_space<hbm>>
        %dma_wait3A_42 = tpu.memref_squeeze %dma_wait3A_41 : memref<1x1x128xi32, #tpu.memory_space<hbm>> -> memref<128xi32, #tpu.memory_space<hbm>>
        tpu.wait_dma2 semaphore(%run_scoped3A : memref<!tpu.dma_semaphore, #tpu.memory_space<semaphore_mem>>) src(%dma_wait3A_42 : memref<128xi32, #tpu.memory_space<hbm>>) dst(%arg7 : memref<128xi32, #tpu.memory_space<vmem>>)
        tpu.yield
      }) : () -> ()
      %dma_start3A = arith.constant 0 : i32
      %dma_start3A_27 = arith.constant 0 : i32
      %dma_start3A_28 = tpu.memref_slice %arg2[%dma_start3A, %dma_start3A_27] : memref<140000x128xf32, #tpu.memory_space<hbm>> -> memref<140000x128xf32, #tpu.memory_space<hbm>>
      tpu.enqueue_indirect_dma source(%dma_start3A_28 : memref<140000x128xf32, #tpu.memory_space<hbm>>) target(%arg8 : memref<128x128xf32, #tpu.memory_space<vmem>>) offsets(%arg6 : memref<128xi32, #tpu.memory_space<vmem>>) semaphore(%arg10 : memref<!tpu.dma_semaphore, #tpu.memory_space<semaphore_mem>>)
      %dma_wait3A = arith.constant 0 : i32
      %dma_wait3A_29 = arith.constant 0 : i32
      %dma_wait3A_30 = tpu.memref_slice %arg2[%dma_wait3A, %dma_wait3A_29] : memref<140000x128xf32, #tpu.memory_space<hbm>> -> memref<140000x128xf32, #tpu.memory_space<hbm>>
      tpu.wait_indirect_dma semaphore(%arg10 : memref<!tpu.dma_semaphore, #tpu.memory_space<semaphore_mem>>) src(%dma_wait3A_30 : memref<140000x128xf32, #tpu.memory_space<hbm>>) dst(%arg8 : memref<128x128xf32, #tpu.memory_space<vmem>>)
      "tpu.region"() ({
        %run_scoped3A = tpu.sem_alloc : memref<!tpu.dma_semaphore, #tpu.memory_space<semaphore_mem>>
        %dma_start3A_31 = arith.constant 0 : i32
        %dma_start3A_32 = arith.constant 0 : i32
        %dma_start3A_33 = tpu.memref_slice %arg9[%dma_start3A_31, %dma_start3A_32] : memref<10112x128xf32, #tpu.memory_space<vmem_shared>> -> memref<10112x128xf32, #tpu.memory_space<vmem_shared>>
        tpu.enqueue_indirect_dma source(%arg8 : memref<128x128xf32, #tpu.memory_space<vmem>>) target(%dma_start3A_33 : memref<10112x128xf32, #tpu.memory_space<vmem_shared>>) offsets(%arg7 : memref<128xi32, #tpu.memory_space<vmem>>) semaphore(%run_scoped3A : memref<!tpu.dma_semaphore, #tpu.memory_space<semaphore_mem>>) {add = true}
        %dma_wait3A_34 = arith.constant 0 : i32
        %dma_wait3A_35 = arith.constant 0 : i32
        %dma_wait3A_36 = tpu.memref_slice %arg9[%dma_wait3A_34, %dma_wait3A_35] : memref<10112x128xf32, #tpu.memory_space<vmem_shared>> -> memref<10112x128xf32, #tpu.memory_space<vmem_shared>>
        tpu.wait_indirect_dma semaphore(%run_scoped3A : memref<!tpu.dma_semaphore, #tpu.memory_space<semaphore_mem>>) src(%arg8 : memref<128x128xf32, #tpu.memory_space<vmem>>) dst(%dma_wait3A_36 : memref<10112x128xf32, #tpu.memory_space<vmem_shared>>)
        tpu.yield
      }) : () -> ()
    }
    %scan3A_24 = arith.constant 79 : i32
    %barrier3A_25 = arith.constant 0 : index
    tpu.barrier barrier_id(%barrier3A_25)
    "tpu.region"() ({
      %run_scoped3A = tpu.sem_alloc : memref<!tpu.dma_semaphore, #tpu.memory_space<semaphore_mem>>
      %dma_start3A = arith.constant 0 : i32
      %dma_start3A_26 = tpu.memref_slice %arg5[%arg0, %mul3A_2, %dma_start3A] : memref<2x10112x128xf32, #tpu.memory_space<hbm>> -> memref<1x632x128xf32, #tpu.memory_space<hbm>>
      %dma_start3A_27 = tpu.memref_squeeze %dma_start3A_26 : memref<1x632x128xf32, #tpu.memory_space<hbm>> -> memref<632x128xf32, #tpu.memory_space<hbm>>
      %dma_start3A_28 = arith.constant 0 : i32
      %dma_start3A_29 = tpu.memref_slice %arg9[%mul3A_2, %dma_start3A_28] : memref<10112x128xf32, #tpu.memory_space<vmem_shared>> -> memref<632x128xf32, #tpu.memory_space<vmem_shared>>
      tpu.enqueue_dma source(%dma_start3A_29 : memref<632x128xf32, #tpu.memory_space<vmem_shared>>) target(%dma_start3A_27 : memref<632x128xf32, #tpu.memory_space<hbm>>) target_semaphore(%run_scoped3A : memref<!tpu.dma_semaphore, #tpu.memory_space<semaphore_mem>>)
      %dma_wait3A = arith.constant 0 : i32
      %dma_wait3A_30 = tpu.memref_slice %arg5[%arg0, %mul3A_2, %dma_wait3A] : memref<2x10112x128xf32, #tpu.memory_space<hbm>> -> memref<1x632x128xf32, #tpu.memory_space<hbm>>
      %dma_wait3A_31 = tpu.memref_squeeze %dma_wait3A_30 : memref<1x632x128xf32, #tpu.memory_space<hbm>> -> memref<632x128xf32, #tpu.memory_space<hbm>>
      %dma_wait3A_32 = arith.constant 0 : i32
      %dma_wait3A_33 = tpu.memref_slice %arg9[%mul3A_2, %dma_wait3A_32] : memref<10112x128xf32, #tpu.memory_space<vmem_shared>> -> memref<632x128xf32, #tpu.memory_space<vmem_shared>>
      tpu.wait_dma2 semaphore(%run_scoped3A : memref<!tpu.dma_semaphore, #tpu.memory_space<semaphore_mem>>) src(%dma_wait3A_33 : memref<632x128xf32, #tpu.memory_space<vmem_shared>>) dst(%dma_wait3A_31 : memref<632x128xf32, #tpu.memory_space<hbm>>)
      tpu.yield
    }) : () -> ()
    return
  }
}

module attributes {stable_mosaic.version = 14 : i64} {
  func.func @body(%arg0: i32, %arg1: memref<1000x128xf32, #tpu.memory_space<vmem>>, %arg2: memref<14x128x128xf32, #tpu.memory_space<vmem>>, %arg3: memref<128x128xf32, #tpu.memory_space<vmem>>, %arg4: memref<1x128xf32, #tpu.memory_space<vmem>>, %arg5: memref<1000x14x128xf32, #tpu.memory_space<vmem>>, %arg6: memref<1000x128xf32, #tpu.memory_space<vmem>>) attributes {dimension_semantics = [#tpu.dimension_semantics<arbitrary>], iteration_bounds = array<i64: 10>, scalar_prefetch = 0 : i64, scratch_operands = 0 : i64, tpu.core_type = #tpu.core_type<tc>, window_params = [{transform_indices = @transform_0, window_bounds = array<i64: 1000, 128>}, {pipeline_mode = #tpu.pipeline_mode<synchronous>, transform_indices = @transform_1, window_bounds = array<i64: 14, 128, 128>}, {pipeline_mode = #tpu.pipeline_mode<synchronous>, transform_indices = @transform_2, window_bounds = array<i64: 128, 128>}, {pipeline_mode = #tpu.pipeline_mode<synchronous>, transform_indices = @transform_3, window_bounds = array<i64: 1, 128>}, {transform_indices = @transform_4, window_bounds = array<i64: 1000, 14, 128>}, {transform_indices = @transform_5, window_bounds = array<i64: 1000, 128>}]} {
    %get3A = arith.constant 0 : index
    %get3A_0 = arith.constant 0 : index
    %get3A_1 = vector.load %arg1[%get3A, %get3A_0] : memref<1000x128xf32, #tpu.memory_space<vmem>>, vector<1000x128xf32>
    %get3A_2 = arith.constant 0 : index
    %get3A_3 = arith.constant 0 : index
    %get3A_4 = arith.constant 0 : index
    %get3A_5 = vector.load %arg2[%get3A_2, %get3A_3, %get3A_4] : memref<14x128x128xf32, #tpu.memory_space<vmem>>, vector<1x128x128xf32>
    %get3A_6 = vector.shape_cast %get3A_5 : vector<1x128x128xf32> to vector<128x128xf32>
    %dot_general3A = arith.constant dense<0.000000e+00> : vector<1000x128xf32>
    %dot_general3A_7 = tpu.matmul %get3A_1, %get3A_6, %dot_general3A {dimension_numbers = #tpu.dot_dimension_numbers<[1], [0], [0], [1], [0, 0, 1, 1], [], []>, transpose_lhs_hint = false} : vector<1000x128xf32>, vector<128x128xf32>, vector<1000x128xf32> -> vector<1000x128xf32>
    %swap3A = arith.constant 0 : index
    %swap3A_8 = arith.constant 0 : index
    %swap3A_9 = arith.constant 0 : index
    %swap3A_10 = vector.load %arg5[%swap3A, %swap3A_8, %swap3A_9] : memref<1000x14x128xf32, #tpu.memory_space<vmem>>, vector<1000x1x128xf32>
    %swap3A_11 = vector.shape_cast %swap3A_10 : vector<1000x1x128xf32> to vector<1000x128xf32>
    %swap3A_12 = vector.shape_cast %dot_general3A_7 : vector<1000x128xf32> to vector<1000x1x128xf32>
    tpu.vector_store %arg5[%swap3A, %swap3A_8, %swap3A_9], %swap3A_12 {strides = array<i32>} : memref<1000x14x128xf32, #tpu.memory_space<vmem>>, vector<1000x1x128xf32>,
    %get3A_13 = arith.constant 1 : index
    %get3A_14 = arith.constant 0 : index
    %get3A_15 = arith.constant 0 : index
    %get3A_16 = vector.load %arg2[%get3A_13, %get3A_14, %get3A_15] : memref<14x128x128xf32, #tpu.memory_space<vmem>>, vector<1x128x128xf32>
    %get3A_17 = vector.shape_cast %get3A_16 : vector<1x128x128xf32> to vector<128x128xf32>
    %dot_general3A_18 = arith.constant dense<0.000000e+00> : vector<1000x128xf32>
    %dot_general3A_19 = tpu.matmul %get3A_1, %get3A_17, %dot_general3A_18 {dimension_numbers = #tpu.dot_dimension_numbers<[1], [0], [0], [1], [0, 0, 1, 1], [], []>, transpose_lhs_hint = false} : vector<1000x128xf32>, vector<128x128xf32>, vector<1000x128xf32> -> vector<1000x128xf32>
    %swap3A_20 = arith.constant 0 : index
    %swap3A_21 = arith.constant 1 : index
    %swap3A_22 = arith.constant 0 : index
    %swap3A_23 = vector.load %arg5[%swap3A_20, %swap3A_21, %swap3A_22] : memref<1000x14x128xf32, #tpu.memory_space<vmem>>, vector<1000x1x128xf32>
    %swap3A_24 = vector.shape_cast %swap3A_23 : vector<1000x1x128xf32> to vector<1000x128xf32>
    %swap3A_25 = vector.shape_cast %dot_general3A_19 : vector<1000x128xf32> to vector<1000x1x128xf32>
    tpu.vector_store %arg5[%swap3A_20, %swap3A_21, %swap3A_22], %swap3A_25 {strides = array<i32>} : memref<1000x14x128xf32, #tpu.memory_space<vmem>>, vector<1000x1x128xf32>,
    %get3A_26 = arith.constant 2 : index
    %get3A_27 = arith.constant 0 : index
    %get3A_28 = arith.constant 0 : index
    %get3A_29 = vector.load %arg2[%get3A_26, %get3A_27, %get3A_28] : memref<14x128x128xf32, #tpu.memory_space<vmem>>, vector<1x128x128xf32>
    %get3A_30 = vector.shape_cast %get3A_29 : vector<1x128x128xf32> to vector<128x128xf32>
    %dot_general3A_31 = arith.constant dense<0.000000e+00> : vector<1000x128xf32>
    %dot_general3A_32 = tpu.matmul %get3A_1, %get3A_30, %dot_general3A_31 {dimension_numbers = #tpu.dot_dimension_numbers<[1], [0], [0], [1], [0, 0, 1, 1], [], []>, transpose_lhs_hint = false} : vector<1000x128xf32>, vector<128x128xf32>, vector<1000x128xf32> -> vector<1000x128xf32>
    %swap3A_33 = arith.constant 0 : index
    %swap3A_34 = arith.constant 2 : index
    %swap3A_35 = arith.constant 0 : index
    %swap3A_36 = vector.load %arg5[%swap3A_33, %swap3A_34, %swap3A_35] : memref<1000x14x128xf32, #tpu.memory_space<vmem>>, vector<1000x1x128xf32>
    %swap3A_37 = vector.shape_cast %swap3A_36 : vector<1000x1x128xf32> to vector<1000x128xf32>
    %swap3A_38 = vector.shape_cast %dot_general3A_32 : vector<1000x128xf32> to vector<1000x1x128xf32>
    tpu.vector_store %arg5[%swap3A_33, %swap3A_34, %swap3A_35], %swap3A_38 {strides = array<i32>} : memref<1000x14x128xf32, #tpu.memory_space<vmem>>, vector<1000x1x128xf32>,
    %get3A_39 = arith.constant 3 : index
    %get3A_40 = arith.constant 0 : index
    %get3A_41 = arith.constant 0 : index
    %get3A_42 = vector.load %arg2[%get3A_39, %get3A_40, %get3A_41] : memref<14x128x128xf32, #tpu.memory_space<vmem>>, vector<1x128x128xf32>
    %get3A_43 = vector.shape_cast %get3A_42 : vector<1x128x128xf32> to vector<128x128xf32>
    %dot_general3A_44 = arith.constant dense<0.000000e+00> : vector<1000x128xf32>
    %dot_general3A_45 = tpu.matmul %get3A_1, %get3A_43, %dot_general3A_44 {dimension_numbers = #tpu.dot_dimension_numbers<[1], [0], [0], [1], [0, 0, 1, 1], [], []>, transpose_lhs_hint = false} : vector<1000x128xf32>, vector<128x128xf32>, vector<1000x128xf32> -> vector<1000x128xf32>
    %swap3A_46 = arith.constant 0 : index
    %swap3A_47 = arith.constant 3 : index
    %swap3A_48 = arith.constant 0 : index
    %swap3A_49 = vector.load %arg5[%swap3A_46, %swap3A_47, %swap3A_48] : memref<1000x14x128xf32, #tpu.memory_space<vmem>>, vector<1000x1x128xf32>
    %swap3A_50 = vector.shape_cast %swap3A_49 : vector<1000x1x128xf32> to vector<1000x128xf32>
    %swap3A_51 = vector.shape_cast %dot_general3A_45 : vector<1000x128xf32> to vector<1000x1x128xf32>
    tpu.vector_store %arg5[%swap3A_46, %swap3A_47, %swap3A_48], %swap3A_51 {strides = array<i32>} : memref<1000x14x128xf32, #tpu.memory_space<vmem>>, vector<1000x1x128xf32>,
    %get3A_52 = arith.constant 4 : index
    %get3A_53 = arith.constant 0 : index
    %get3A_54 = arith.constant 0 : index
    %get3A_55 = vector.load %arg2[%get3A_52, %get3A_53, %get3A_54] : memref<14x128x128xf32, #tpu.memory_space<vmem>>, vector<1x128x128xf32>
    %get3A_56 = vector.shape_cast %get3A_55 : vector<1x128x128xf32> to vector<128x128xf32>
    %dot_general3A_57 = arith.constant dense<0.000000e+00> : vector<1000x128xf32>
    %dot_general3A_58 = tpu.matmul %get3A_1, %get3A_56, %dot_general3A_57 {dimension_numbers = #tpu.dot_dimension_numbers<[1], [0], [0], [1], [0, 0, 1, 1], [], []>, transpose_lhs_hint = false} : vector<1000x128xf32>, vector<128x128xf32>, vector<1000x128xf32> -> vector<1000x128xf32>
    %swap3A_59 = arith.constant 0 : index
    %swap3A_60 = arith.constant 4 : index
    %swap3A_61 = arith.constant 0 : index
    %swap3A_62 = vector.load %arg5[%swap3A_59, %swap3A_60, %swap3A_61] : memref<1000x14x128xf32, #tpu.memory_space<vmem>>, vector<1000x1x128xf32>
    %swap3A_63 = vector.shape_cast %swap3A_62 : vector<1000x1x128xf32> to vector<1000x128xf32>
    %swap3A_64 = vector.shape_cast %dot_general3A_58 : vector<1000x128xf32> to vector<1000x1x128xf32>
    tpu.vector_store %arg5[%swap3A_59, %swap3A_60, %swap3A_61], %swap3A_64 {strides = array<i32>} : memref<1000x14x128xf32, #tpu.memory_space<vmem>>, vector<1000x1x128xf32>,
    %get3A_65 = arith.constant 5 : index
    %get3A_66 = arith.constant 0 : index
    %get3A_67 = arith.constant 0 : index
    %get3A_68 = vector.load %arg2[%get3A_65, %get3A_66, %get3A_67] : memref<14x128x128xf32, #tpu.memory_space<vmem>>, vector<1x128x128xf32>
    %get3A_69 = vector.shape_cast %get3A_68 : vector<1x128x128xf32> to vector<128x128xf32>
    %dot_general3A_70 = arith.constant dense<0.000000e+00> : vector<1000x128xf32>
    %dot_general3A_71 = tpu.matmul %get3A_1, %get3A_69, %dot_general3A_70 {dimension_numbers = #tpu.dot_dimension_numbers<[1], [0], [0], [1], [0, 0, 1, 1], [], []>, transpose_lhs_hint = false} : vector<1000x128xf32>, vector<128x128xf32>, vector<1000x128xf32> -> vector<1000x128xf32>
    %swap3A_72 = arith.constant 0 : index
    %swap3A_73 = arith.constant 5 : index
    %swap3A_74 = arith.constant 0 : index
    %swap3A_75 = vector.load %arg5[%swap3A_72, %swap3A_73, %swap3A_74] : memref<1000x14x128xf32, #tpu.memory_space<vmem>>, vector<1000x1x128xf32>
    %swap3A_76 = vector.shape_cast %swap3A_75 : vector<1000x1x128xf32> to vector<1000x128xf32>
    %swap3A_77 = vector.shape_cast %dot_general3A_71 : vector<1000x128xf32> to vector<1000x1x128xf32>
    tpu.vector_store %arg5[%swap3A_72, %swap3A_73, %swap3A_74], %swap3A_77 {strides = array<i32>} : memref<1000x14x128xf32, #tpu.memory_space<vmem>>, vector<1000x1x128xf32>,
    %get3A_78 = arith.constant 6 : index
    %get3A_79 = arith.constant 0 : index
    %get3A_80 = arith.constant 0 : index
    %get3A_81 = vector.load %arg2[%get3A_78, %get3A_79, %get3A_80] : memref<14x128x128xf32, #tpu.memory_space<vmem>>, vector<1x128x128xf32>
    %get3A_82 = vector.shape_cast %get3A_81 : vector<1x128x128xf32> to vector<128x128xf32>
    %dot_general3A_83 = arith.constant dense<0.000000e+00> : vector<1000x128xf32>
    %dot_general3A_84 = tpu.matmul %get3A_1, %get3A_82, %dot_general3A_83 {dimension_numbers = #tpu.dot_dimension_numbers<[1], [0], [0], [1], [0, 0, 1, 1], [], []>, transpose_lhs_hint = false} : vector<1000x128xf32>, vector<128x128xf32>, vector<1000x128xf32> -> vector<1000x128xf32>
    %swap3A_85 = arith.constant 0 : index
    %swap3A_86 = arith.constant 6 : index
    %swap3A_87 = arith.constant 0 : index
    %swap3A_88 = vector.load %arg5[%swap3A_85, %swap3A_86, %swap3A_87] : memref<1000x14x128xf32, #tpu.memory_space<vmem>>, vector<1000x1x128xf32>
    %swap3A_89 = vector.shape_cast %swap3A_88 : vector<1000x1x128xf32> to vector<1000x128xf32>
    %swap3A_90 = vector.shape_cast %dot_general3A_84 : vector<1000x128xf32> to vector<1000x1x128xf32>
    tpu.vector_store %arg5[%swap3A_85, %swap3A_86, %swap3A_87], %swap3A_90 {strides = array<i32>} : memref<1000x14x128xf32, #tpu.memory_space<vmem>>, vector<1000x1x128xf32>,
    %get3A_91 = arith.constant 7 : index
    %get3A_92 = arith.constant 0 : index
    %get3A_93 = arith.constant 0 : index
    %get3A_94 = vector.load %arg2[%get3A_91, %get3A_92, %get3A_93] : memref<14x128x128xf32, #tpu.memory_space<vmem>>, vector<1x128x128xf32>
    %get3A_95 = vector.shape_cast %get3A_94 : vector<1x128x128xf32> to vector<128x128xf32>
    %dot_general3A_96 = arith.constant dense<0.000000e+00> : vector<1000x128xf32>
    %dot_general3A_97 = tpu.matmul %get3A_1, %get3A_95, %dot_general3A_96 {dimension_numbers = #tpu.dot_dimension_numbers<[1], [0], [0], [1], [0, 0, 1, 1], [], []>, transpose_lhs_hint = false} : vector<1000x128xf32>, vector<128x128xf32>, vector<1000x128xf32> -> vector<1000x128xf32>
    %swap3A_98 = arith.constant 0 : index
    %swap3A_99 = arith.constant 7 : index
    %swap3A_100 = arith.constant 0 : index
    %swap3A_101 = vector.load %arg5[%swap3A_98, %swap3A_99, %swap3A_100] : memref<1000x14x128xf32, #tpu.memory_space<vmem>>, vector<1000x1x128xf32>
    %swap3A_102 = vector.shape_cast %swap3A_101 : vector<1000x1x128xf32> to vector<1000x128xf32>
    %swap3A_103 = vector.shape_cast %dot_general3A_97 : vector<1000x128xf32> to vector<1000x1x128xf32>
    tpu.vector_store %arg5[%swap3A_98, %swap3A_99, %swap3A_100], %swap3A_103 {strides = array<i32>} : memref<1000x14x128xf32, #tpu.memory_space<vmem>>, vector<1000x1x128xf32>,
    %get3A_104 = arith.constant 8 : index
    %get3A_105 = arith.constant 0 : index
    %get3A_106 = arith.constant 0 : index
    %get3A_107 = vector.load %arg2[%get3A_104, %get3A_105, %get3A_106] : memref<14x128x128xf32, #tpu.memory_space<vmem>>, vector<1x128x128xf32>
    %get3A_108 = vector.shape_cast %get3A_107 : vector<1x128x128xf32> to vector<128x128xf32>
    %dot_general3A_109 = arith.constant dense<0.000000e+00> : vector<1000x128xf32>
    %dot_general3A_110 = tpu.matmul %get3A_1, %get3A_108, %dot_general3A_109 {dimension_numbers = #tpu.dot_dimension_numbers<[1], [0], [0], [1], [0, 0, 1, 1], [], []>, transpose_lhs_hint = false} : vector<1000x128xf32>, vector<128x128xf32>, vector<1000x128xf32> -> vector<1000x128xf32>
    %swap3A_111 = arith.constant 0 : index
    %swap3A_112 = arith.constant 8 : index
    %swap3A_113 = arith.constant 0 : index
    %swap3A_114 = vector.load %arg5[%swap3A_111, %swap3A_112, %swap3A_113] : memref<1000x14x128xf32, #tpu.memory_space<vmem>>, vector<1000x1x128xf32>
    %swap3A_115 = vector.shape_cast %swap3A_114 : vector<1000x1x128xf32> to vector<1000x128xf32>
    %swap3A_116 = vector.shape_cast %dot_general3A_110 : vector<1000x128xf32> to vector<1000x1x128xf32>
    tpu.vector_store %arg5[%swap3A_111, %swap3A_112, %swap3A_113], %swap3A_116 {strides = array<i32>} : memref<1000x14x128xf32, #tpu.memory_space<vmem>>, vector<1000x1x128xf32>,
    %get3A_117 = arith.constant 9 : index
    %get3A_118 = arith.constant 0 : index
    %get3A_119 = arith.constant 0 : index
    %get3A_120 = vector.load %arg2[%get3A_117, %get3A_118, %get3A_119] : memref<14x128x128xf32, #tpu.memory_space<vmem>>, vector<1x128x128xf32>
    %get3A_121 = vector.shape_cast %get3A_120 : vector<1x128x128xf32> to vector<128x128xf32>
    %dot_general3A_122 = arith.constant dense<0.000000e+00> : vector<1000x128xf32>
    %dot_general3A_123 = tpu.matmul %get3A_1, %get3A_121, %dot_general3A_122 {dimension_numbers = #tpu.dot_dimension_numbers<[1], [0], [0], [1], [0, 0, 1, 1], [], []>, transpose_lhs_hint = false} : vector<1000x128xf32>, vector<128x128xf32>, vector<1000x128xf32> -> vector<1000x128xf32>
    %swap3A_124 = arith.constant 0 : index
    %swap3A_125 = arith.constant 9 : index
    %swap3A_126 = arith.constant 0 : index
    %swap3A_127 = vector.load %arg5[%swap3A_124, %swap3A_125, %swap3A_126] : memref<1000x14x128xf32, #tpu.memory_space<vmem>>, vector<1000x1x128xf32>
    %swap3A_128 = vector.shape_cast %swap3A_127 : vector<1000x1x128xf32> to vector<1000x128xf32>
    %swap3A_129 = vector.shape_cast %dot_general3A_123 : vector<1000x128xf32> to vector<1000x1x128xf32>
    tpu.vector_store %arg5[%swap3A_124, %swap3A_125, %swap3A_126], %swap3A_129 {strides = array<i32>} : memref<1000x14x128xf32, #tpu.memory_space<vmem>>, vector<1000x1x128xf32>,
    %get3A_130 = arith.constant 10 : index
    %get3A_131 = arith.constant 0 : index
    %get3A_132 = arith.constant 0 : index
    %get3A_133 = vector.load %arg2[%get3A_130, %get3A_131, %get3A_132] : memref<14x128x128xf32, #tpu.memory_space<vmem>>, vector<1x128x128xf32>
    %get3A_134 = vector.shape_cast %get3A_133 : vector<1x128x128xf32> to vector<128x128xf32>
    %dot_general3A_135 = arith.constant dense<0.000000e+00> : vector<1000x128xf32>
    %dot_general3A_136 = tpu.matmul %get3A_1, %get3A_134, %dot_general3A_135 {dimension_numbers = #tpu.dot_dimension_numbers<[1], [0], [0], [1], [0, 0, 1, 1], [], []>, transpose_lhs_hint = false} : vector<1000x128xf32>, vector<128x128xf32>, vector<1000x128xf32> -> vector<1000x128xf32>
    %swap3A_137 = arith.constant 0 : index
    %swap3A_138 = arith.constant 10 : index
    %swap3A_139 = arith.constant 0 : index
    %swap3A_140 = vector.load %arg5[%swap3A_137, %swap3A_138, %swap3A_139] : memref<1000x14x128xf32, #tpu.memory_space<vmem>>, vector<1000x1x128xf32>
    %swap3A_141 = vector.shape_cast %swap3A_140 : vector<1000x1x128xf32> to vector<1000x128xf32>
    %swap3A_142 = vector.shape_cast %dot_general3A_136 : vector<1000x128xf32> to vector<1000x1x128xf32>
    tpu.vector_store %arg5[%swap3A_137, %swap3A_138, %swap3A_139], %swap3A_142 {strides = array<i32>} : memref<1000x14x128xf32, #tpu.memory_space<vmem>>, vector<1000x1x128xf32>,
    %get3A_143 = arith.constant 11 : index
    %get3A_144 = arith.constant 0 : index
    %get3A_145 = arith.constant 0 : index
    %get3A_146 = vector.load %arg2[%get3A_143, %get3A_144, %get3A_145] : memref<14x128x128xf32, #tpu.memory_space<vmem>>, vector<1x128x128xf32>
    %get3A_147 = vector.shape_cast %get3A_146 : vector<1x128x128xf32> to vector<128x128xf32>
    %dot_general3A_148 = arith.constant dense<0.000000e+00> : vector<1000x128xf32>
    %dot_general3A_149 = tpu.matmul %get3A_1, %get3A_147, %dot_general3A_148 {dimension_numbers = #tpu.dot_dimension_numbers<[1], [0], [0], [1], [0, 0, 1, 1], [], []>, transpose_lhs_hint = false} : vector<1000x128xf32>, vector<128x128xf32>, vector<1000x128xf32> -> vector<1000x128xf32>
    %swap3A_150 = arith.constant 0 : index
    %swap3A_151 = arith.constant 11 : index
    %swap3A_152 = arith.constant 0 : index
    %swap3A_153 = vector.load %arg5[%swap3A_150, %swap3A_151, %swap3A_152] : memref<1000x14x128xf32, #tpu.memory_space<vmem>>, vector<1000x1x128xf32>
    %swap3A_154 = vector.shape_cast %swap3A_153 : vector<1000x1x128xf32> to vector<1000x128xf32>
    %swap3A_155 = vector.shape_cast %dot_general3A_149 : vector<1000x128xf32> to vector<1000x1x128xf32>
    tpu.vector_store %arg5[%swap3A_150, %swap3A_151, %swap3A_152], %swap3A_155 {strides = array<i32>} : memref<1000x14x128xf32, #tpu.memory_space<vmem>>, vector<1000x1x128xf32>,
    %get3A_156 = arith.constant 12 : index
    %get3A_157 = arith.constant 0 : index
    %get3A_158 = arith.constant 0 : index
    %get3A_159 = vector.load %arg2[%get3A_156, %get3A_157, %get3A_158] : memref<14x128x128xf32, #tpu.memory_space<vmem>>, vector<1x128x128xf32>
    %get3A_160 = vector.shape_cast %get3A_159 : vector<1x128x128xf32> to vector<128x128xf32>
    %dot_general3A_161 = arith.constant dense<0.000000e+00> : vector<1000x128xf32>
    %dot_general3A_162 = tpu.matmul %get3A_1, %get3A_160, %dot_general3A_161 {dimension_numbers = #tpu.dot_dimension_numbers<[1], [0], [0], [1], [0, 0, 1, 1], [], []>, transpose_lhs_hint = false} : vector<1000x128xf32>, vector<128x128xf32>, vector<1000x128xf32> -> vector<1000x128xf32>
    %swap3A_163 = arith.constant 0 : index
    %swap3A_164 = arith.constant 12 : index
    %swap3A_165 = arith.constant 0 : index
    %swap3A_166 = vector.load %arg5[%swap3A_163, %swap3A_164, %swap3A_165] : memref<1000x14x128xf32, #tpu.memory_space<vmem>>, vector<1000x1x128xf32>
    %swap3A_167 = vector.shape_cast %swap3A_166 : vector<1000x1x128xf32> to vector<1000x128xf32>
    %swap3A_168 = vector.shape_cast %dot_general3A_162 : vector<1000x128xf32> to vector<1000x1x128xf32>
    tpu.vector_store %arg5[%swap3A_163, %swap3A_164, %swap3A_165], %swap3A_168 {strides = array<i32>} : memref<1000x14x128xf32, #tpu.memory_space<vmem>>, vector<1000x1x128xf32>,
    %get3A_169 = arith.constant 13 : index
    %get3A_170 = arith.constant 0 : index
    %get3A_171 = arith.constant 0 : index
    %get3A_172 = vector.load %arg2[%get3A_169, %get3A_170, %get3A_171] : memref<14x128x128xf32, #tpu.memory_space<vmem>>, vector<1x128x128xf32>
    %get3A_173 = vector.shape_cast %get3A_172 : vector<1x128x128xf32> to vector<128x128xf32>
    %dot_general3A_174 = arith.constant dense<0.000000e+00> : vector<1000x128xf32>
    %dot_general3A_175 = tpu.matmul %get3A_1, %get3A_173, %dot_general3A_174 {dimension_numbers = #tpu.dot_dimension_numbers<[1], [0], [0], [1], [0, 0, 1, 1], [], []>, transpose_lhs_hint = false} : vector<1000x128xf32>, vector<128x128xf32>, vector<1000x128xf32> -> vector<1000x128xf32>
    %swap3A_176 = arith.constant 0 : index
    %swap3A_177 = arith.constant 13 : index
    %swap3A_178 = arith.constant 0 : index
    %swap3A_179 = vector.load %arg5[%swap3A_176, %swap3A_177, %swap3A_178] : memref<1000x14x128xf32, #tpu.memory_space<vmem>>, vector<1000x1x128xf32>
    %swap3A_180 = vector.shape_cast %swap3A_179 : vector<1000x1x128xf32> to vector<1000x128xf32>
    %swap3A_181 = vector.shape_cast %dot_general3A_175 : vector<1000x128xf32> to vector<1000x1x128xf32>
    tpu.vector_store %arg5[%swap3A_176, %swap3A_177, %swap3A_178], %swap3A_181 {strides = array<i32>} : memref<1000x14x128xf32, #tpu.memory_space<vmem>>, vector<1000x1x128xf32>,
    %get3A_182 = arith.constant 0 : index
    %get3A_183 = arith.constant 0 : index
    %get3A_184 = vector.load %arg3[%get3A_182, %get3A_183] : memref<128x128xf32, #tpu.memory_space<vmem>>, vector<128x128xf32>
    %dot_general3A_185 = arith.constant dense<0.000000e+00> : vector<1000x128xf32>
    %dot_general3A_186 = tpu.matmul %get3A_1, %get3A_184, %dot_general3A_185 {dimension_numbers = #tpu.dot_dimension_numbers<[1], [0], [0], [1], [0, 0, 1, 1], [], []>, transpose_lhs_hint = false} : vector<1000x128xf32>, vector<128x128xf32>, vector<1000x128xf32> -> vector<1000x128xf32>
    %get3A_187 = arith.constant 0 : index
    %get3A_188 = arith.constant 0 : index
    %get3A_189 = vector.load %arg4[%get3A_187, %get3A_188] : memref<1x128xf32, #tpu.memory_space<vmem>>, vector<1x128xf32>
    %add3A = vector.broadcast %get3A_189 : vector<1x128xf32> to vector<1000x128xf32>
    %add3A_190 = arith.addf %dot_general3A_186, %add3A : vector<1000x128xf32>
    %swap3A_191 = arith.constant 0 : index
    %swap3A_192 = arith.constant 0 : index
    %swap3A_193 = vector.load %arg6[%swap3A_191, %swap3A_192] : memref<1000x128xf32, #tpu.memory_space<vmem>>, vector<1000x128xf32>
    tpu.vector_store %arg6[%swap3A_191, %swap3A_192], %add3A_190 {strides = array<i32>} : memref<1000x128xf32, #tpu.memory_space<vmem>>, vector<1000x128xf32>,
    return
  }
  func.func @transform_0(%arg0: i32) -> (i32, i32) {
    %c0_i32 = arith.constant 0 : i32
    %c0_i32_0 = arith.constant 0 : i32
    return %arg0, %c0_i32 : i32, i32
  }
  func.func @transform_1(%arg0: i32) -> (i32, i32, i32) {
    %c0_i32 = arith.constant 0 : i32
    %c0_i32_0 = arith.constant 0 : i32
    %c0_i32_1 = arith.constant 0 : i32
    %c0_i32_2 = arith.constant 0 : i32
    return %c0_i32, %c0_i32_0, %c0_i32_1 : i32, i32, i32
  }
  func.func @transform_2(%arg0: i32) -> (i32, i32) {
    %c0_i32 = arith.constant 0 : i32
    %c0_i32_0 = arith.constant 0 : i32
    %c0_i32_1 = arith.constant 0 : i32
    return %c0_i32, %c0_i32_0 : i32, i32
  }
  func.func @transform_3(%arg0: i32) -> (i32, i32) {
    %c0_i32 = arith.constant 0 : i32
    %c0_i32_0 = arith.constant 0 : i32
    %c0_i32_1 = arith.constant 0 : i32
    return %c0_i32, %c0_i32_0 : i32, i32
  }
  func.func @transform_4(%arg0: i32) -> (i32, i32, i32) {
    %c0_i32 = arith.constant 0 : i32
    %c0_i32_0 = arith.constant 0 : i32
    %c0_i32_1 = arith.constant 0 : i32
    return %arg0, %c0_i32, %c0_i32_0 : i32, i32, i32
  }
  func.func @transform_5(%arg0: i32) -> (i32, i32) {
    %c0_i32 = arith.constant 0 : i32
    %c0_i32_0 = arith.constant 0 : i32
    return %arg0, %c0_i32 : i32, i32
  }
}

module attributes {stable_mosaic.version = 14 : i64} {
  func.func @body(%arg0: i32, %arg1: memref<2x1000x128xf32, #tpu.memory_space<vmem>>, %arg2: memref<1000x128xf32, #tpu.memory_space<vmem>>, %arg3: memref<14x128x128xf32, #tpu.memory_space<vmem>>, %arg4: memref<128x128xf32, #tpu.memory_space<vmem>>, %arg5: memref<1x128xf32, #tpu.memory_space<vmem>>, %arg6: memref<1000x14x128xf32, #tpu.memory_space<vmem>>, %arg7: memref<1000x128xf32, #tpu.memory_space<vmem>>) attributes {dimension_semantics = [#tpu.dimension_semantics<arbitrary>], iteration_bounds = array<i64: 10>, scalar_prefetch = 0 : i64, scratch_operands = 0 : i64, tpu.core_type = #tpu.core_type<tc>, window_params = [{transform_indices = @transform_0, window_bounds = array<i64: 2, 1000, 128>}, {transform_indices = @transform_1, window_bounds = array<i64: 1000, 128>}, {pipeline_mode = #tpu.pipeline_mode<synchronous>, transform_indices = @transform_2, window_bounds = array<i64: 14, 128, 128>}, {pipeline_mode = #tpu.pipeline_mode<synchronous>, transform_indices = @transform_3, window_bounds = array<i64: 128, 128>}, {pipeline_mode = #tpu.pipeline_mode<synchronous>, transform_indices = @transform_4, window_bounds = array<i64: 1, 128>}, {transform_indices = @transform_5, window_bounds = array<i64: 1000, 14, 128>}, {transform_indices = @transform_6, window_bounds = array<i64: 1000, 128>}]} {
    %get3A = arith.constant 0 : index
    %get3A_0 = arith.constant 0 : index
    %get3A_1 = arith.constant 0 : index
    %get3A_2 = vector.load %arg1[%get3A, %get3A_0, %get3A_1] : memref<2x1000x128xf32, #tpu.memory_space<vmem>>, vector<1x1000x128xf32>
    %get3A_3 = vector.shape_cast %get3A_2 : vector<1x1000x128xf32> to vector<1000x128xf32>
    %get3A_4 = arith.constant 1 : index
    %get3A_5 = arith.constant 0 : index
    %get3A_6 = arith.constant 0 : index
    %get3A_7 = vector.load %arg1[%get3A_4, %get3A_5, %get3A_6] : memref<2x1000x128xf32, #tpu.memory_space<vmem>>, vector<1x1000x128xf32>
    %get3A_8 = vector.shape_cast %get3A_7 : vector<1x1000x128xf32> to vector<1000x128xf32>
    %add3A = arith.addf %get3A_3, %get3A_8 : vector<1000x128xf32>
    %get3A_9 = arith.constant 0 : index
    %get3A_10 = arith.constant 0 : index
    %get3A_11 = vector.load %arg2[%get3A_9, %get3A_10] : memref<1000x128xf32, #tpu.memory_space<vmem>>, vector<1000x128xf32>
    %add3A_12 = arith.addf %add3A, %get3A_11 : vector<1000x128xf32>
    %max3A = arith.constant 0.000000e+00 : f32
    %max3A_13 = vector.broadcast %max3A : f32 to vector<1000x128xf32>
    %max3A_14 = arith.maximumf %add3A_12, %max3A_13 : vector<1000x128xf32>
    %get3A_15 = arith.constant 0 : index
    %get3A_16 = arith.constant 0 : index
    %get3A_17 = arith.constant 0 : index
    %get3A_18 = vector.load %arg3[%get3A_15, %get3A_16, %get3A_17] : memref<14x128x128xf32, #tpu.memory_space<vmem>>, vector<1x128x128xf32>
    %get3A_19 = vector.shape_cast %get3A_18 : vector<1x128x128xf32> to vector<128x128xf32>
    %dot_general3A = arith.constant dense<0.000000e+00> : vector<1000x128xf32>
    %dot_general3A_20 = tpu.matmul %max3A_14, %get3A_19, %dot_general3A {dimension_numbers = #tpu.dot_dimension_numbers<[1], [0], [0], [1], [0, 0, 1, 1], [], []>, transpose_lhs_hint = false} : vector<1000x128xf32>, vector<128x128xf32>, vector<1000x128xf32> -> vector<1000x128xf32>
    %swap3A = arith.constant 0 : index
    %swap3A_21 = arith.constant 0 : index
    %swap3A_22 = arith.constant 0 : index
    %swap3A_23 = vector.load %arg6[%swap3A, %swap3A_21, %swap3A_22] : memref<1000x14x128xf32, #tpu.memory_space<vmem>>, vector<1000x1x128xf32>
    %swap3A_24 = vector.shape_cast %swap3A_23 : vector<1000x1x128xf32> to vector<1000x128xf32>
    %swap3A_25 = vector.shape_cast %dot_general3A_20 : vector<1000x128xf32> to vector<1000x1x128xf32>
    tpu.vector_store %arg6[%swap3A, %swap3A_21, %swap3A_22], %swap3A_25 {strides = array<i32>} : memref<1000x14x128xf32, #tpu.memory_space<vmem>>, vector<1000x1x128xf32>,
    %get3A_26 = arith.constant 1 : index
    %get3A_27 = arith.constant 0 : index
    %get3A_28 = arith.constant 0 : index
    %get3A_29 = vector.load %arg3[%get3A_26, %get3A_27, %get3A_28] : memref<14x128x128xf32, #tpu.memory_space<vmem>>, vector<1x128x128xf32>
    %get3A_30 = vector.shape_cast %get3A_29 : vector<1x128x128xf32> to vector<128x128xf32>
    %dot_general3A_31 = arith.constant dense<0.000000e+00> : vector<1000x128xf32>
    %dot_general3A_32 = tpu.matmul %max3A_14, %get3A_30, %dot_general3A_31 {dimension_numbers = #tpu.dot_dimension_numbers<[1], [0], [0], [1], [0, 0, 1, 1], [], []>, transpose_lhs_hint = false} : vector<1000x128xf32>, vector<128x128xf32>, vector<1000x128xf32> -> vector<1000x128xf32>
    %swap3A_33 = arith.constant 0 : index
    %swap3A_34 = arith.constant 1 : index
    %swap3A_35 = arith.constant 0 : index
    %swap3A_36 = vector.load %arg6[%swap3A_33, %swap3A_34, %swap3A_35] : memref<1000x14x128xf32, #tpu.memory_space<vmem>>, vector<1000x1x128xf32>
    %swap3A_37 = vector.shape_cast %swap3A_36 : vector<1000x1x128xf32> to vector<1000x128xf32>
    %swap3A_38 = vector.shape_cast %dot_general3A_32 : vector<1000x128xf32> to vector<1000x1x128xf32>
    tpu.vector_store %arg6[%swap3A_33, %swap3A_34, %swap3A_35], %swap3A_38 {strides = array<i32>} : memref<1000x14x128xf32, #tpu.memory_space<vmem>>, vector<1000x1x128xf32>,
    %get3A_39 = arith.constant 2 : index
    %get3A_40 = arith.constant 0 : index
    %get3A_41 = arith.constant 0 : index
    %get3A_42 = vector.load %arg3[%get3A_39, %get3A_40, %get3A_41] : memref<14x128x128xf32, #tpu.memory_space<vmem>>, vector<1x128x128xf32>
    %get3A_43 = vector.shape_cast %get3A_42 : vector<1x128x128xf32> to vector<128x128xf32>
    %dot_general3A_44 = arith.constant dense<0.000000e+00> : vector<1000x128xf32>
    %dot_general3A_45 = tpu.matmul %max3A_14, %get3A_43, %dot_general3A_44 {dimension_numbers = #tpu.dot_dimension_numbers<[1], [0], [0], [1], [0, 0, 1, 1], [], []>, transpose_lhs_hint = false} : vector<1000x128xf32>, vector<128x128xf32>, vector<1000x128xf32> -> vector<1000x128xf32>
    %swap3A_46 = arith.constant 0 : index
    %swap3A_47 = arith.constant 2 : index
    %swap3A_48 = arith.constant 0 : index
    %swap3A_49 = vector.load %arg6[%swap3A_46, %swap3A_47, %swap3A_48] : memref<1000x14x128xf32, #tpu.memory_space<vmem>>, vector<1000x1x128xf32>
    %swap3A_50 = vector.shape_cast %swap3A_49 : vector<1000x1x128xf32> to vector<1000x128xf32>
    %swap3A_51 = vector.shape_cast %dot_general3A_45 : vector<1000x128xf32> to vector<1000x1x128xf32>
    tpu.vector_store %arg6[%swap3A_46, %swap3A_47, %swap3A_48], %swap3A_51 {strides = array<i32>} : memref<1000x14x128xf32, #tpu.memory_space<vmem>>, vector<1000x1x128xf32>,
    %get3A_52 = arith.constant 3 : index
    %get3A_53 = arith.constant 0 : index
    %get3A_54 = arith.constant 0 : index
    %get3A_55 = vector.load %arg3[%get3A_52, %get3A_53, %get3A_54] : memref<14x128x128xf32, #tpu.memory_space<vmem>>, vector<1x128x128xf32>
    %get3A_56 = vector.shape_cast %get3A_55 : vector<1x128x128xf32> to vector<128x128xf32>
    %dot_general3A_57 = arith.constant dense<0.000000e+00> : vector<1000x128xf32>
    %dot_general3A_58 = tpu.matmul %max3A_14, %get3A_56, %dot_general3A_57 {dimension_numbers = #tpu.dot_dimension_numbers<[1], [0], [0], [1], [0, 0, 1, 1], [], []>, transpose_lhs_hint = false} : vector<1000x128xf32>, vector<128x128xf32>, vector<1000x128xf32> -> vector<1000x128xf32>
    %swap3A_59 = arith.constant 0 : index
    %swap3A_60 = arith.constant 3 : index
    %swap3A_61 = arith.constant 0 : index
    %swap3A_62 = vector.load %arg6[%swap3A_59, %swap3A_60, %swap3A_61] : memref<1000x14x128xf32, #tpu.memory_space<vmem>>, vector<1000x1x128xf32>
    %swap3A_63 = vector.shape_cast %swap3A_62 : vector<1000x1x128xf32> to vector<1000x128xf32>
    %swap3A_64 = vector.shape_cast %dot_general3A_58 : vector<1000x128xf32> to vector<1000x1x128xf32>
    tpu.vector_store %arg6[%swap3A_59, %swap3A_60, %swap3A_61], %swap3A_64 {strides = array<i32>} : memref<1000x14x128xf32, #tpu.memory_space<vmem>>, vector<1000x1x128xf32>,
    %get3A_65 = arith.constant 4 : index
    %get3A_66 = arith.constant 0 : index
    %get3A_67 = arith.constant 0 : index
    %get3A_68 = vector.load %arg3[%get3A_65, %get3A_66, %get3A_67] : memref<14x128x128xf32, #tpu.memory_space<vmem>>, vector<1x128x128xf32>
    %get3A_69 = vector.shape_cast %get3A_68 : vector<1x128x128xf32> to vector<128x128xf32>
    %dot_general3A_70 = arith.constant dense<0.000000e+00> : vector<1000x128xf32>
    %dot_general3A_71 = tpu.matmul %max3A_14, %get3A_69, %dot_general3A_70 {dimension_numbers = #tpu.dot_dimension_numbers<[1], [0], [0], [1], [0, 0, 1, 1], [], []>, transpose_lhs_hint = false} : vector<1000x128xf32>, vector<128x128xf32>, vector<1000x128xf32> -> vector<1000x128xf32>
    %swap3A_72 = arith.constant 0 : index
    %swap3A_73 = arith.constant 4 : index
    %swap3A_74 = arith.constant 0 : index
    %swap3A_75 = vector.load %arg6[%swap3A_72, %swap3A_73, %swap3A_74] : memref<1000x14x128xf32, #tpu.memory_space<vmem>>, vector<1000x1x128xf32>
    %swap3A_76 = vector.shape_cast %swap3A_75 : vector<1000x1x128xf32> to vector<1000x128xf32>
    %swap3A_77 = vector.shape_cast %dot_general3A_71 : vector<1000x128xf32> to vector<1000x1x128xf32>
    tpu.vector_store %arg6[%swap3A_72, %swap3A_73, %swap3A_74], %swap3A_77 {strides = array<i32>} : memref<1000x14x128xf32, #tpu.memory_space<vmem>>, vector<1000x1x128xf32>,
    %get3A_78 = arith.constant 5 : index
    %get3A_79 = arith.constant 0 : index
    %get3A_80 = arith.constant 0 : index
    %get3A_81 = vector.load %arg3[%get3A_78, %get3A_79, %get3A_80] : memref<14x128x128xf32, #tpu.memory_space<vmem>>, vector<1x128x128xf32>
    %get3A_82 = vector.shape_cast %get3A_81 : vector<1x128x128xf32> to vector<128x128xf32>
    %dot_general3A_83 = arith.constant dense<0.000000e+00> : vector<1000x128xf32>
    %dot_general3A_84 = tpu.matmul %max3A_14, %get3A_82, %dot_general3A_83 {dimension_numbers = #tpu.dot_dimension_numbers<[1], [0], [0], [1], [0, 0, 1, 1], [], []>, transpose_lhs_hint = false} : vector<1000x128xf32>, vector<128x128xf32>, vector<1000x128xf32> -> vector<1000x128xf32>
    %swap3A_85 = arith.constant 0 : index
    %swap3A_86 = arith.constant 5 : index
    %swap3A_87 = arith.constant 0 : index
    %swap3A_88 = vector.load %arg6[%swap3A_85, %swap3A_86, %swap3A_87] : memref<1000x14x128xf32, #tpu.memory_space<vmem>>, vector<1000x1x128xf32>
    %swap3A_89 = vector.shape_cast %swap3A_88 : vector<1000x1x128xf32> to vector<1000x128xf32>
    %swap3A_90 = vector.shape_cast %dot_general3A_84 : vector<1000x128xf32> to vector<1000x1x128xf32>
    tpu.vector_store %arg6[%swap3A_85, %swap3A_86, %swap3A_87], %swap3A_90 {strides = array<i32>} : memref<1000x14x128xf32, #tpu.memory_space<vmem>>, vector<1000x1x128xf32>,
    %get3A_91 = arith.constant 6 : index
    %get3A_92 = arith.constant 0 : index
    %get3A_93 = arith.constant 0 : index
    %get3A_94 = vector.load %arg3[%get3A_91, %get3A_92, %get3A_93] : memref<14x128x128xf32, #tpu.memory_space<vmem>>, vector<1x128x128xf32>
    %get3A_95 = vector.shape_cast %get3A_94 : vector<1x128x128xf32> to vector<128x128xf32>
    %dot_general3A_96 = arith.constant dense<0.000000e+00> : vector<1000x128xf32>
    %dot_general3A_97 = tpu.matmul %max3A_14, %get3A_95, %dot_general3A_96 {dimension_numbers = #tpu.dot_dimension_numbers<[1], [0], [0], [1], [0, 0, 1, 1], [], []>, transpose_lhs_hint = false} : vector<1000x128xf32>, vector<128x128xf32>, vector<1000x128xf32> -> vector<1000x128xf32>
    %swap3A_98 = arith.constant 0 : index
    %swap3A_99 = arith.constant 6 : index
    %swap3A_100 = arith.constant 0 : index
    %swap3A_101 = vector.load %arg6[%swap3A_98, %swap3A_99, %swap3A_100] : memref<1000x14x128xf32, #tpu.memory_space<vmem>>, vector<1000x1x128xf32>
    %swap3A_102 = vector.shape_cast %swap3A_101 : vector<1000x1x128xf32> to vector<1000x128xf32>
    %swap3A_103 = vector.shape_cast %dot_general3A_97 : vector<1000x128xf32> to vector<1000x1x128xf32>
    tpu.vector_store %arg6[%swap3A_98, %swap3A_99, %swap3A_100], %swap3A_103 {strides = array<i32>} : memref<1000x14x128xf32, #tpu.memory_space<vmem>>, vector<1000x1x128xf32>,
    %get3A_104 = arith.constant 7 : index
    %get3A_105 = arith.constant 0 : index
    %get3A_106 = arith.constant 0 : index
    %get3A_107 = vector.load %arg3[%get3A_104, %get3A_105, %get3A_106] : memref<14x128x128xf32, #tpu.memory_space<vmem>>, vector<1x128x128xf32>
    %get3A_108 = vector.shape_cast %get3A_107 : vector<1x128x128xf32> to vector<128x128xf32>
    %dot_general3A_109 = arith.constant dense<0.000000e+00> : vector<1000x128xf32>
    %dot_general3A_110 = tpu.matmul %max3A_14, %get3A_108, %dot_general3A_109 {dimension_numbers = #tpu.dot_dimension_numbers<[1], [0], [0], [1], [0, 0, 1, 1], [], []>, transpose_lhs_hint = false} : vector<1000x128xf32>, vector<128x128xf32>, vector<1000x128xf32> -> vector<1000x128xf32>
    %swap3A_111 = arith.constant 0 : index
    %swap3A_112 = arith.constant 7 : index
    %swap3A_113 = arith.constant 0 : index
    %swap3A_114 = vector.load %arg6[%swap3A_111, %swap3A_112, %swap3A_113] : memref<1000x14x128xf32, #tpu.memory_space<vmem>>, vector<1000x1x128xf32>
    %swap3A_115 = vector.shape_cast %swap3A_114 : vector<1000x1x128xf32> to vector<1000x128xf32>
    %swap3A_116 = vector.shape_cast %dot_general3A_110 : vector<1000x128xf32> to vector<1000x1x128xf32>
    tpu.vector_store %arg6[%swap3A_111, %swap3A_112, %swap3A_113], %swap3A_116 {strides = array<i32>} : memref<1000x14x128xf32, #tpu.memory_space<vmem>>, vector<1000x1x128xf32>,
    %get3A_117 = arith.constant 8 : index
    %get3A_118 = arith.constant 0 : index
    %get3A_119 = arith.constant 0 : index
    %get3A_120 = vector.load %arg3[%get3A_117, %get3A_118, %get3A_119] : memref<14x128x128xf32, #tpu.memory_space<vmem>>, vector<1x128x128xf32>
    %get3A_121 = vector.shape_cast %get3A_120 : vector<1x128x128xf32> to vector<128x128xf32>
    %dot_general3A_122 = arith.constant dense<0.000000e+00> : vector<1000x128xf32>
    %dot_general3A_123 = tpu.matmul %max3A_14, %get3A_121, %dot_general3A_122 {dimension_numbers = #tpu.dot_dimension_numbers<[1], [0], [0], [1], [0, 0, 1, 1], [], []>, transpose_lhs_hint = false} : vector<1000x128xf32>, vector<128x128xf32>, vector<1000x128xf32> -> vector<1000x128xf32>
    %swap3A_124 = arith.constant 0 : index
    %swap3A_125 = arith.constant 8 : index
    %swap3A_126 = arith.constant 0 : index
    %swap3A_127 = vector.load %arg6[%swap3A_124, %swap3A_125, %swap3A_126] : memref<1000x14x128xf32, #tpu.memory_space<vmem>>, vector<1000x1x128xf32>
    %swap3A_128 = vector.shape_cast %swap3A_127 : vector<1000x1x128xf32> to vector<1000x128xf32>
    %swap3A_129 = vector.shape_cast %dot_general3A_123 : vector<1000x128xf32> to vector<1000x1x128xf32>
    tpu.vector_store %arg6[%swap3A_124, %swap3A_125, %swap3A_126], %swap3A_129 {strides = array<i32>} : memref<1000x14x128xf32, #tpu.memory_space<vmem>>, vector<1000x1x128xf32>,
    %get3A_130 = arith.constant 9 : index
    %get3A_131 = arith.constant 0 : index
    %get3A_132 = arith.constant 0 : index
    %get3A_133 = vector.load %arg3[%get3A_130, %get3A_131, %get3A_132] : memref<14x128x128xf32, #tpu.memory_space<vmem>>, vector<1x128x128xf32>
    %get3A_134 = vector.shape_cast %get3A_133 : vector<1x128x128xf32> to vector<128x128xf32>
    %dot_general3A_135 = arith.constant dense<0.000000e+00> : vector<1000x128xf32>
    %dot_general3A_136 = tpu.matmul %max3A_14, %get3A_134, %dot_general3A_135 {dimension_numbers = #tpu.dot_dimension_numbers<[1], [0], [0], [1], [0, 0, 1, 1], [], []>, transpose_lhs_hint = false} : vector<1000x128xf32>, vector<128x128xf32>, vector<1000x128xf32> -> vector<1000x128xf32>
    %swap3A_137 = arith.constant 0 : index
    %swap3A_138 = arith.constant 9 : index
    %swap3A_139 = arith.constant 0 : index
    %swap3A_140 = vector.load %arg6[%swap3A_137, %swap3A_138, %swap3A_139] : memref<1000x14x128xf32, #tpu.memory_space<vmem>>, vector<1000x1x128xf32>
    %swap3A_141 = vector.shape_cast %swap3A_140 : vector<1000x1x128xf32> to vector<1000x128xf32>
    %swap3A_142 = vector.shape_cast %dot_general3A_136 : vector<1000x128xf32> to vector<1000x1x128xf32>
    tpu.vector_store %arg6[%swap3A_137, %swap3A_138, %swap3A_139], %swap3A_142 {strides = array<i32>} : memref<1000x14x128xf32, #tpu.memory_space<vmem>>, vector<1000x1x128xf32>,
    %get3A_143 = arith.constant 10 : index
    %get3A_144 = arith.constant 0 : index
    %get3A_145 = arith.constant 0 : index
    %get3A_146 = vector.load %arg3[%get3A_143, %get3A_144, %get3A_145] : memref<14x128x128xf32, #tpu.memory_space<vmem>>, vector<1x128x128xf32>
    %get3A_147 = vector.shape_cast %get3A_146 : vector<1x128x128xf32> to vector<128x128xf32>
    %dot_general3A_148 = arith.constant dense<0.000000e+00> : vector<1000x128xf32>
    %dot_general3A_149 = tpu.matmul %max3A_14, %get3A_147, %dot_general3A_148 {dimension_numbers = #tpu.dot_dimension_numbers<[1], [0], [0], [1], [0, 0, 1, 1], [], []>, transpose_lhs_hint = false} : vector<1000x128xf32>, vector<128x128xf32>, vector<1000x128xf32> -> vector<1000x128xf32>
    %swap3A_150 = arith.constant 0 : index
    %swap3A_151 = arith.constant 10 : index
    %swap3A_152 = arith.constant 0 : index
    %swap3A_153 = vector.load %arg6[%swap3A_150, %swap3A_151, %swap3A_152] : memref<1000x14x128xf32, #tpu.memory_space<vmem>>, vector<1000x1x128xf32>
    %swap3A_154 = vector.shape_cast %swap3A_153 : vector<1000x1x128xf32> to vector<1000x128xf32>
    %swap3A_155 = vector.shape_cast %dot_general3A_149 : vector<1000x128xf32> to vector<1000x1x128xf32>
    tpu.vector_store %arg6[%swap3A_150, %swap3A_151, %swap3A_152], %swap3A_155 {strides = array<i32>} : memref<1000x14x128xf32, #tpu.memory_space<vmem>>, vector<1000x1x128xf32>,
    %get3A_156 = arith.constant 11 : index
    %get3A_157 = arith.constant 0 : index
    %get3A_158 = arith.constant 0 : index
    %get3A_159 = vector.load %arg3[%get3A_156, %get3A_157, %get3A_158] : memref<14x128x128xf32, #tpu.memory_space<vmem>>, vector<1x128x128xf32>
    %get3A_160 = vector.shape_cast %get3A_159 : vector<1x128x128xf32> to vector<128x128xf32>
    %dot_general3A_161 = arith.constant dense<0.000000e+00> : vector<1000x128xf32>
    %dot_general3A_162 = tpu.matmul %max3A_14, %get3A_160, %dot_general3A_161 {dimension_numbers = #tpu.dot_dimension_numbers<[1], [0], [0], [1], [0, 0, 1, 1], [], []>, transpose_lhs_hint = false} : vector<1000x128xf32>, vector<128x128xf32>, vector<1000x128xf32> -> vector<1000x128xf32>
    %swap3A_163 = arith.constant 0 : index
    %swap3A_164 = arith.constant 11 : index
    %swap3A_165 = arith.constant 0 : index
    %swap3A_166 = vector.load %arg6[%swap3A_163, %swap3A_164, %swap3A_165] : memref<1000x14x128xf32, #tpu.memory_space<vmem>>, vector<1000x1x128xf32>
    %swap3A_167 = vector.shape_cast %swap3A_166 : vector<1000x1x128xf32> to vector<1000x128xf32>
    %swap3A_168 = vector.shape_cast %dot_general3A_162 : vector<1000x128xf32> to vector<1000x1x128xf32>
    tpu.vector_store %arg6[%swap3A_163, %swap3A_164, %swap3A_165], %swap3A_168 {strides = array<i32>} : memref<1000x14x128xf32, #tpu.memory_space<vmem>>, vector<1000x1x128xf32>,
    %get3A_169 = arith.constant 12 : index
    %get3A_170 = arith.constant 0 : index
    %get3A_171 = arith.constant 0 : index
    %get3A_172 = vector.load %arg3[%get3A_169, %get3A_170, %get3A_171] : memref<14x128x128xf32, #tpu.memory_space<vmem>>, vector<1x128x128xf32>
    %get3A_173 = vector.shape_cast %get3A_172 : vector<1x128x128xf32> to vector<128x128xf32>
    %dot_general3A_174 = arith.constant dense<0.000000e+00> : vector<1000x128xf32>
    %dot_general3A_175 = tpu.matmul %max3A_14, %get3A_173, %dot_general3A_174 {dimension_numbers = #tpu.dot_dimension_numbers<[1], [0], [0], [1], [0, 0, 1, 1], [], []>, transpose_lhs_hint = false} : vector<1000x128xf32>, vector<128x128xf32>, vector<1000x128xf32> -> vector<1000x128xf32>
    %swap3A_176 = arith.constant 0 : index
    %swap3A_177 = arith.constant 12 : index
    %swap3A_178 = arith.constant 0 : index
    %swap3A_179 = vector.load %arg6[%swap3A_176, %swap3A_177, %swap3A_178] : memref<1000x14x128xf32, #tpu.memory_space<vmem>>, vector<1000x1x128xf32>
    %swap3A_180 = vector.shape_cast %swap3A_179 : vector<1000x1x128xf32> to vector<1000x128xf32>
    %swap3A_181 = vector.shape_cast %dot_general3A_175 : vector<1000x128xf32> to vector<1000x1x128xf32>
    tpu.vector_store %arg6[%swap3A_176, %swap3A_177, %swap3A_178], %swap3A_181 {strides = array<i32>} : memref<1000x14x128xf32, #tpu.memory_space<vmem>>, vector<1000x1x128xf32>,
    %get3A_182 = arith.constant 13 : index
    %get3A_183 = arith.constant 0 : index
    %get3A_184 = arith.constant 0 : index
    %get3A_185 = vector.load %arg3[%get3A_182, %get3A_183, %get3A_184] : memref<14x128x128xf32, #tpu.memory_space<vmem>>, vector<1x128x128xf32>
    %get3A_186 = vector.shape_cast %get3A_185 : vector<1x128x128xf32> to vector<128x128xf32>
    %dot_general3A_187 = arith.constant dense<0.000000e+00> : vector<1000x128xf32>
    %dot_general3A_188 = tpu.matmul %max3A_14, %get3A_186, %dot_general3A_187 {dimension_numbers = #tpu.dot_dimension_numbers<[1], [0], [0], [1], [0, 0, 1, 1], [], []>, transpose_lhs_hint = false} : vector<1000x128xf32>, vector<128x128xf32>, vector<1000x128xf32> -> vector<1000x128xf32>
    %swap3A_189 = arith.constant 0 : index
    %swap3A_190 = arith.constant 13 : index
    %swap3A_191 = arith.constant 0 : index
    %swap3A_192 = vector.load %arg6[%swap3A_189, %swap3A_190, %swap3A_191] : memref<1000x14x128xf32, #tpu.memory_space<vmem>>, vector<1000x1x128xf32>
    %swap3A_193 = vector.shape_cast %swap3A_192 : vector<1000x1x128xf32> to vector<1000x128xf32>
    %swap3A_194 = vector.shape_cast %dot_general3A_188 : vector<1000x128xf32> to vector<1000x1x128xf32>
    tpu.vector_store %arg6[%swap3A_189, %swap3A_190, %swap3A_191], %swap3A_194 {strides = array<i32>} : memref<1000x14x128xf32, #tpu.memory_space<vmem>>, vector<1000x1x128xf32>,
    %get3A_195 = arith.constant 0 : index
    %get3A_196 = arith.constant 0 : index
    %get3A_197 = vector.load %arg4[%get3A_195, %get3A_196] : memref<128x128xf32, #tpu.memory_space<vmem>>, vector<128x128xf32>
    %dot_general3A_198 = arith.constant dense<0.000000e+00> : vector<1000x128xf32>
    %dot_general3A_199 = tpu.matmul %max3A_14, %get3A_197, %dot_general3A_198 {dimension_numbers = #tpu.dot_dimension_numbers<[1], [0], [0], [1], [0, 0, 1, 1], [], []>, transpose_lhs_hint = false} : vector<1000x128xf32>, vector<128x128xf32>, vector<1000x128xf32> -> vector<1000x128xf32>
    %get3A_200 = arith.constant 0 : index
    %get3A_201 = arith.constant 0 : index
    %get3A_202 = vector.load %arg5[%get3A_200, %get3A_201] : memref<1x128xf32, #tpu.memory_space<vmem>>, vector<1x128xf32>
    %add3A_203 = vector.broadcast %get3A_202 : vector<1x128xf32> to vector<1000x128xf32>
    %add3A_204 = arith.addf %dot_general3A_199, %add3A_203 : vector<1000x128xf32>
    %swap3A_205 = arith.constant 0 : index
    %swap3A_206 = arith.constant 0 : index
    %swap3A_207 = vector.load %arg7[%swap3A_205, %swap3A_206] : memref<1000x128xf32, #tpu.memory_space<vmem>>, vector<1000x128xf32>
    tpu.vector_store %arg7[%swap3A_205, %swap3A_206], %add3A_204 {strides = array<i32>} : memref<1000x128xf32, #tpu.memory_space<vmem>>, vector<1000x128xf32>,
    return
  }
  func.func @transform_0(%arg0: i32) -> (i32, i32, i32) {
    %c0_i32 = arith.constant 0 : i32
    %c0_i32_0 = arith.constant 0 : i32
    %c0_i32_1 = arith.constant 0 : i32
    return %c0_i32, %arg0, %c0_i32_0 : i32, i32, i32
  }
  func.func @transform_1(%arg0: i32) -> (i32, i32) {
    %c0_i32 = arith.constant 0 : i32
    %c0_i32_0 = arith.constant 0 : i32
    return %arg0, %c0_i32 : i32, i32
  }
  func.func @transform_2(%arg0: i32) -> (i32, i32, i32) {
    %c0_i32 = arith.constant 0 : i32
    %c0_i32_0 = arith.constant 0 : i32
    %c0_i32_1 = arith.constant 0 : i32
    %c0_i32_2 = arith.constant 0 : i32
    return %c0_i32, %c0_i32_0, %c0_i32_1 : i32, i32, i32
  }
  func.func @transform_3(%arg0: i32) -> (i32, i32) {
    %c0_i32 = arith.constant 0 : i32
    %c0_i32_0 = arith.constant 0 : i32
    %c0_i32_1 = arith.constant 0 : i32
    return %c0_i32, %c0_i32_0 : i32, i32
  }
  func.func @transform_4(%arg0: i32) -> (i32, i32) {
    %c0_i32 = arith.constant 0 : i32
    %c0_i32_0 = arith.constant 0 : i32
    %c0_i32_1 = arith.constant 0 : i32
    return %c0_i32, %c0_i32_0 : i32, i32
  }
  func.func @transform_5(%arg0: i32) -> (i32, i32, i32) {
    %c0_i32 = arith.constant 0 : i32
    %c0_i32_0 = arith.constant 0 : i32
    %c0_i32_1 = arith.constant 0 : i32
    return %arg0, %c0_i32, %c0_i32_0 : i32, i32, i32
  }
  func.func @transform_6(%arg0: i32) -> (i32, i32) {
    %c0_i32 = arith.constant 0 : i32
    %c0_i32_0 = arith.constant 0 : i32
    return %arg0, %c0_i32 : i32, i32
  }
}

module attributes {stable_mosaic.version = 14 : i64} {
  func.func @body(%arg0: i32, %arg1: memref<2x1000x128xf32, #tpu.memory_space<vmem>>, %arg2: memref<1000x128xf32, #tpu.memory_space<vmem>>, %arg3: memref<128x10xf32, #tpu.memory_space<vmem>>, %arg4: memref<1x10xf32, #tpu.memory_space<vmem>>, %arg5: memref<1x10xf32, #tpu.memory_space<vmem>>, %arg6: memref<1x128xf32, #tpu.memory_space<vmem>>) attributes {dimension_semantics = [#tpu.dimension_semantics<arbitrary>], iteration_bounds = array<i64: 10>, scalar_prefetch = 0 : i64, scratch_operands = 1 : i64, tpu.core_type = #tpu.core_type<tc>, window_params = [{transform_indices = @transform_0, window_bounds = array<i64: 2, 1000, 128>}, {transform_indices = @transform_1, window_bounds = array<i64: 1000, 128>}, {pipeline_mode = #tpu.pipeline_mode<synchronous>, transform_indices = @transform_2, window_bounds = array<i64: 128, 10>}, {pipeline_mode = #tpu.pipeline_mode<synchronous>, transform_indices = @transform_3, window_bounds = array<i64: 1, 10>}, {pipeline_mode = #tpu.pipeline_mode<synchronous>, transform_indices = @transform_4, window_bounds = array<i64: 1, 10>}]} {
    %get3A = arith.constant 0 : index
    %get3A_0 = arith.constant 0 : index
    %get3A_1 = arith.constant 0 : index
    %get3A_2 = vector.load %arg1[%get3A, %get3A_0, %get3A_1] : memref<2x1000x128xf32, #tpu.memory_space<vmem>>, vector<1x1000x128xf32>
    %get3A_3 = vector.shape_cast %get3A_2 : vector<1x1000x128xf32> to vector<1000x128xf32>
    %get3A_4 = arith.constant 1 : index
    %get3A_5 = arith.constant 0 : index
    %get3A_6 = arith.constant 0 : index
    %get3A_7 = vector.load %arg1[%get3A_4, %get3A_5, %get3A_6] : memref<2x1000x128xf32, #tpu.memory_space<vmem>>, vector<1x1000x128xf32>
    %get3A_8 = vector.shape_cast %get3A_7 : vector<1x1000x128xf32> to vector<1000x128xf32>
    %add3A = arith.addf %get3A_3, %get3A_8 : vector<1000x128xf32>
    %get3A_9 = arith.constant 0 : index
    %get3A_10 = arith.constant 0 : index
    %get3A_11 = vector.load %arg2[%get3A_9, %get3A_10] : memref<1000x128xf32, #tpu.memory_space<vmem>>, vector<1000x128xf32>
    %add3A_12 = arith.addf %add3A, %get3A_11 : vector<1000x128xf32>
    %max3A = arith.constant 0.000000e+00 : f32
    %max3A_13 = vector.broadcast %max3A : f32 to vector<1000x128xf32>
    %max3A_14 = arith.maximumf %add3A_12, %max3A_13 : vector<1000x128xf32>
    %reduce_sum3A = arith.constant dense<0.000000e+00> : vector<128xf32>
    %reduce_sum3A_15 = vector.multi_reduction <add>, %max3A_14, %reduce_sum3A [0] : vector<1000x128xf32> to vector<128xf32>
    %broadcast_in_dim3A = vector.shape_cast %reduce_sum3A_15 : vector<128xf32> to vector<1x128xf32>
    %eq3A = arith.constant 0 : i32
    %eq3A_16 = arith.cmpi eq, %arg0, %eq3A : i32
    %convert_element_type3A = arith.extui %eq3A_16 : i1 to i32
    %cond3A = arith.constant 0 : i32
    %cond3A_17 = arith.cmpi ne, %convert_element_type3A, %cond3A : i32
    scf.if %cond3A_17 {
      %swap3A = arith.constant 0 : index
      %swap3A_27 = arith.constant 0 : index
      %swap3A_28 = vector.load %arg6[%swap3A, %swap3A_27] : memref<1x128xf32, #tpu.memory_space<vmem>>, vector<1x128xf32>
      tpu.vector_store %arg6[%swap3A, %swap3A_27], %broadcast_in_dim3A {strides = array<i32>} : memref<1x128xf32, #tpu.memory_space<vmem>>, vector<1x128xf32>,
    } else {
    }
    %gt3A = arith.constant 0 : i32
    %gt3A_18 = arith.cmpi sgt, %arg0, %gt3A : i32
    %convert_element_type3A_19 = arith.extui %gt3A_18 : i1 to i32
    %cond3A_20 = arith.constant 0 : i32
    %cond3A_21 = arith.cmpi ne, %convert_element_type3A_19, %cond3A_20 : i32
    scf.if %cond3A_21 {
      %get3A_27 = arith.constant 0 : index
      %get3A_28 = arith.constant 0 : index
      %get3A_29 = vector.load %arg6[%get3A_27, %get3A_28] : memref<1x128xf32, #tpu.memory_space<vmem>>, vector<1x128xf32>
      %add3A_30 = arith.addf %get3A_29, %broadcast_in_dim3A : vector<1x128xf32>
      %swap3A = arith.constant 0 : index
      %swap3A_31 = arith.constant 0 : index
      %swap3A_32 = vector.load %arg6[%swap3A, %swap3A_31] : memref<1x128xf32, #tpu.memory_space<vmem>>, vector<1x128xf32>
      tpu.vector_store %arg6[%swap3A, %swap3A_31], %add3A_30 {strides = array<i32>} : memref<1x128xf32, #tpu.memory_space<vmem>>, vector<1x128xf32>,
    } else {
    }
    %eq3A_22 = arith.constant 9 : i32
    %eq3A_23 = arith.cmpi eq, %arg0, %eq3A_22 : i32
    %convert_element_type3A_24 = arith.extui %eq3A_23 : i1 to i32
    %cond3A_25 = arith.constant 0 : i32
    %cond3A_26 = arith.cmpi ne, %convert_element_type3A_24, %cond3A_25 : i32
    scf.if %cond3A_26 {
      %get3A_27 = arith.constant 0 : index
      %get3A_28 = arith.constant 0 : index
      %get3A_29 = vector.load %arg6[%get3A_27, %get3A_28] : memref<1x128xf32, #tpu.memory_space<vmem>>, vector<1x128xf32>
      %mul3A = arith.constant 9.99999974E-5 : f32
      %mul3A_30 = vector.broadcast %mul3A : f32 to vector<1x128xf32>
      %mul3A_31 = arith.mulf %get3A_29, %mul3A_30 : vector<1x128xf32>
      %get3A_32 = arith.constant 0 : index
      %get3A_33 = arith.constant 0 : index
      %get3A_34 = vector.load %arg3[%get3A_32, %get3A_33] : memref<128x10xf32, #tpu.memory_space<vmem>>, vector<128x10xf32>
      %dot_general3A = arith.constant dense<0.000000e+00> : vector<1x10xf32>
      %dot_general3A_35 = tpu.matmul %mul3A_31, %get3A_34, %dot_general3A {dimension_numbers = #tpu.dot_dimension_numbers<[1], [0], [0], [1], [0, 0, 1, 1], [], []>, transpose_lhs_hint = false} : vector<1x128xf32>, vector<128x10xf32>, vector<1x10xf32> -> vector<1x10xf32>
      %get3A_36 = arith.constant 0 : index
      %get3A_37 = arith.constant 0 : index
      %get3A_38 = vector.load %arg4[%get3A_36, %get3A_37] : memref<1x10xf32, #tpu.memory_space<vmem>>, vector<1x10xf32>
      %add3A_39 = arith.addf %dot_general3A_35, %get3A_38 : vector<1x10xf32>
      %reduce_max3A = arith.constant dense<0xFF800000> : vector<1xf32>
      %reduce_max3A_40 = vector.multi_reduction <maximumf>, %add3A_39, %reduce_max3A [1] : vector<1x10xf32> to vector<1xf32>
      %broadcast_in_dim3A_41 = vector.shape_cast %reduce_max3A_40 : vector<1xf32> to vector<1x1xf32>
      %sub3A = vector.broadcast %broadcast_in_dim3A_41 : vector<1x1xf32> to vector<1x10xf32>
      %sub3A_42 = arith.subf %add3A_39, %sub3A : vector<1x10xf32>
      %exp3A = math.exp %sub3A_42 : vector<1x10xf32>
      %reduce_sum3A_43 = arith.constant dense<0.000000e+00> : vector<1xf32>
      %reduce_sum3A_44 = vector.multi_reduction <add>, %exp3A, %reduce_sum3A_43 [1] : vector<1x10xf32> to vector<1xf32>
      %broadcast_in_dim3A_45 = vector.shape_cast %reduce_sum3A_44 : vector<1xf32> to vector<1x1xf32>
      %div3A = vector.broadcast %broadcast_in_dim3A_45 : vector<1x1xf32> to vector<1x10xf32>
      %div3A_46 = arith.divf %exp3A, %div3A : vector<1x10xf32>
      %swap3A = arith.constant 0 : index
      %swap3A_47 = arith.constant 0 : index
      %swap3A_48 = vector.load %arg5[%swap3A, %swap3A_47] : memref<1x10xf32, #tpu.memory_space<vmem>>, vector<1x10xf32>
      tpu.vector_store %arg5[%swap3A, %swap3A_47], %div3A_46 {strides = array<i32>} : memref<1x10xf32, #tpu.memory_space<vmem>>, vector<1x10xf32>,
    } else {
    }
    return
  }
  func.func @transform_0(%arg0: i32) -> (i32, i32, i32) {
    %c0_i32 = arith.constant 0 : i32
    %c0_i32_0 = arith.constant 0 : i32
    %c0_i32_1 = arith.constant 0 : i32
    return %c0_i32, %arg0, %c0_i32_0 : i32, i32, i32
  }
  func.func @transform_1(%arg0: i32) -> (i32, i32) {
    %c0_i32 = arith.constant 0 : i32
    %c0_i32_0 = arith.constant 0 : i32
    return %arg0, %c0_i32 : i32, i32
  }
  func.func @transform_2(%arg0: i32) -> (i32, i32) {
    %c0_i32 = arith.constant 0 : i32
    %c0_i32_0 = arith.constant 0 : i32
    %c0_i32_1 = arith.constant 0 : i32
    return %c0_i32, %c0_i32_0 : i32, i32
  }
  func.func @transform_3(%arg0: i32) -> (i32, i32) {
    %c0_i32 = arith.constant 0 : i32
    %c0_i32_0 = arith.constant 0 : i32
    %c0_i32_1 = arith.constant 0 : i32
    return %c0_i32, %c0_i32_0 : i32, i32
  }
  func.func @transform_4(%arg0: i32) -> (i32, i32) {
    %c0_i32 = arith.constant 0 : i32
    %c0_i32_0 = arith.constant 0 : i32
    %c0_i32_1 = arith.constant 0 : i32
    return %c0_i32, %c0_i32_0 : i32, i32
  }
}

</mosaic_0001>

<sc_bundles>
// kernel: kernel.10.cloned.1.call-start
scs
__scs_entry_jumppad:
0x0: {  	(pc) =	sbr.rel $0x88, $3  }
0x1: {  	(tag) =	ssettag $0x0;
	lr =	simm.s32 $0x1  }
0x2: {  	[smem:$0x3F96] =	sst lr;
	_ =	strace $0xD0000000  }
0x3: {  	_ = 	snop  }
0x4: {  	_ = 	snop  }
0x5: {  	_ = 	snop  }
0x6: {  	_ = 	snop  }
0x7: {  	_ = 	snop  }
__scs_overlays_trampoline_lowered:
0x8: {  	[smem:$0x3FA5] =	sst s0  }
0x9: {  	[smem:$0x3FA6] =	sst s1  }
0xa: {  	[smem:$0x3FA7] =	sst s2  }
0xb: {  	[smem:$0x3FA8] =	sst s3  }
0xc: {  	[smem:$0x3FA9] =	sst s4  }
0xd: {  	[smem:$0x3FAA] =	sst s5  }
0xe: {  	[smem:$0x3FAB] =	sst s6  }
0xf: {  	[smem:$0x3FAC] =	sst s7  }
0x10: {  	[smem:$0x3FAD] =	sst s8  }
0x11: {  	[smem:$0x3FAE] =	sst s9;
	s0 =	simm.s32 @!p0 $0x0  }
0x12: {  	s1 =	sld [smem:$0x3F94];
	s0 =	simm.s32 @p0 $0x1  }
0x13: {  	[smem:$0x3FAF] =	sst s0;
	s0 =	simm.s32 @!p1 $0x0  }
0x14: {  	s2 =	sld [smem:$0x3F93];
	s0 =	simm.s32 @p1 $0x1  }
0x15: {  	[smem:$0x3FB0] =	sst s0;
	s0 =	simm.s32 @!p2 $0x0  }
0x16: {  	s3 =	sld [smem:$0x3FDB];
	s0 =	simm.s32 @p2 $0x1  }
0x17: {  	s4 =	simm.s32 $0x1BF5;
	[smem:$0x3FB2] =	sst s0  }
0x18: {  	s0 =	sld [smem:$0x3F95];
	_ =	swait.ge [sflag:s4], $0x0  }
0x19: {  	s7 =	sld [smem:$0x3F96]  }
0x1a: {  	s8 =	sadd.s32 $0xFFFFE003, lr  }
0x1b: {  	s9 =	sadd.s32 $0xFFFFFEF7, lr;
	s5 =	simm.s32 $0xFFFFFFFF;
	p2 =	slt.u32 s8, $0xFFFFF086  }
0x1c: {  	p1 =	slt.u32 s9, $0xF7A;
	s5 =	simm.s32 @!p2 $0x0  }
0x1d: {  	s5 =	simm.s32 @p1 $0x1;
	p0 =	seq.s32 s7, s2  }
0x1e: {  	s7 =	smul.u32 @!p0 $0xF7A, s2;
	p2 =	seq.s32 @!p0 s5, $0x0  }
0x1f: {  	s9 =	smul.u32 $0xF7A, s1;
	s8 =	simm.s32 @!p0 $0x1BF5;
	p2 =	por !p2, p0  }
0x20: {  	[sflag:s8] =	ssyncset.s32 @!p0 $0xFFFFF086;
	s6 =	sadd.s32 @!p0 s3, s7;
	s7 =	simm.s32 @!p0 $0x108  }
0x21: {  	s3 =	sadd.s32 s3, s9;
	s6 =	sadd.s32 @!p0 $0x88, s6;
	s7 =	simm.s32 @p2 $0x1082  }
0x22: {  	[simem:s7], [sflag:s8] =	dma.local @!p0 [hbm:s6], $0xF7A  }
0x23: {  	s9 =	sor.u32 $0xD0000000, s2;
	s6 =	simm.s32 $0x108;
	_ =	swait.ge @!p0 [sflag:s8], $0x0  }
0x24: {  	s3 =	sadd.s32 $0x88, s3;
	s6 =	simm.s32 @!p1 $0x1082;
	[sflag:s4] =	ssyncset.s32 $0xFFFFF086  }
0x25: {  	[simem:s6], [sflag:s4] =	dma.local [hbm:s3], $0xF7A  }
0x26: {  	[smem:$0x3F96] =	sst s1;
	(tag) =	ssettag s2;
	_ =	strace s9  }
0x27: {  	s1 =	sld [smem:$0x3FA6]  }
0x28: {  	s2 =	sld [smem:$0x3FA7]  }
0x29: {  	s4 =	sld [smem:$0x3FA9]  }
0x2a: {  	p0 =	seq.s32 s5, $0x0;
	s5 =	sld [smem:$0x3FAA]  }
0x2b: {  	s6 =	sld [smem:$0x3FAB]  }
0x2c: {  	s7 =	sld [smem:$0x3FAC]  }
0x2d: {  	s3 =	simm.s32 $0x108;
	s8 =	sld [smem:$0x3FAD]  }
0x2e: {  	s3 =	simm.s32 @!p0 $0x1082;
	s9 =	sld [smem:$0x3FAE]  }
0x2f: {  	lr =	sadd.s32 s0, s3;
	s0 =	sld [smem:$0x3FA5]  }
0x30: {  	s3 =	sld [smem:$0x3FA8]  }
0x31: {  	[smem:$0x3FB1] =	sst s10  }
0x32: {  	s10 =	sld [smem:$0x3FAF];
	_ =	sdelay $0x3  }
0x33: {  	p0 =	seq.s32 s10, $0x1;
	s10 =	sld [smem:$0x3FB1];
	_ =	sdelay $0x3  }
0x34: {  	[smem:$0x3FB1] =	sst s10  }
0x35: {  	s10 =	sld [smem:$0x3FB0];
	_ =	sdelay $0x3  }
0x36: {  	p1 =	seq.s32 s10, $0x1;
	s10 =	sld [smem:$0x3FB1];
	_ =	sdelay $0x3  }
0x37: {  	[smem:$0x3FB1] =	sst s10  }
0x38: {  	s10 =	sld [smem:$0x3FB2]  }
0x39: {  	_ = 	snop;
	(pc) =	sbr.ind lr, $3  }
0x3a: {  	_ = 	snop  }
0x3b: {  	_ = 	snop  }
0x3c: {  	p2 =	seq.s32 s10, $0x1;
	s10 =	sld [smem:$0x3FB1]  }
0x3d: {  	_ =	shalt  }
0x3e: {  	_ =	shalt  }
0x3f: {  	_ =	shalt  }
0x40: {  	_ =	shalt  }
0x41: {  	_ =	shalt  }
0x42: {  	_ =	shalt  }
0x43: {  	_ =	shalt  }
0x44: {  	_ =	shalt  }
0x45: {  	_ =	shalt  }
0x46: {  	_ =	shalt  }
0x47: {  	_ =	shalt  }
0x48: {  	_ =	shalt  }
0x49: {  	_ =	shalt  }
0x4a: {  	_ =	shalt  }
0x4b: {  	_ =	shalt  }
0x4c: {  	_ =	shalt  }
0x4d: {  	_ =	shalt  }
0x4e: {  	_ =	shalt  }
0x4f: {  	_ =	shalt  }
0x50: {  	_ =	shalt  }
0x51: {  	_ =	shalt  }
0x52: {  	_ =	shalt  }
0x53: {  	_ =	shalt  }
0x54: {  	_ =	shalt  }
0x55: {  	_ =	shalt  }
0x56: {  	_ =	shalt  }
0x57: {  	_ =	shalt  }
0x58: {  	_ =	shalt  }
0x59: {  	_ =	shalt  }
0x5a: {  	_ =	shalt  }
0x5b: {  	_ =	shalt  }
0x5c: {  	_ =	shalt  }
0x5d: {  	_ =	shalt  }
0x5e: {  	_ =	shalt  }
0x5f: {  	_ =	shalt  }
0x60: {  	_ =	shalt  }
0x61: {  	_ =	shalt  }
0x62: {  	_ =	shalt  }
0x63: {  	_ =	shalt  }
0x64: {  	_ =	shalt  }
0x65: {  	_ =	shalt  }
0x66: {  	_ =	shalt  }
0x67: {  	_ =	shalt  }
0x68: {  	_ =	shalt  }
0x69: {  	_ =	shalt  }
0x6a: {  	_ =	shalt  }
0x6b: {  	_ =	shalt  }
0x6c: {  	_ =	shalt  }
0x6d: {  	_ =	shalt  }
0x6e: {  	_ =	shalt  }
0x6f: {  	_ =	shalt  }
0x70: {  	_ =	shalt  }
0x71: {  	_ =	shalt  }
0x72: {  	_ =	shalt  }
0x73: {  	_ =	shalt  }
0x74: {  	_ =	shalt  }
0x75: {  	_ =	shalt  }
0x76: {  	_ =	shalt  }
0x77: {  	_ =	shalt  }
0x78: {  	_ =	shalt  }
0x79: {  	_ =	shalt  }
0x7a: {  	_ =	shalt  }
0x7b: {  	_ =	shalt  }
0x7c: {  	_ =	shalt  }
0x7d: {  	_ =	shalt  }
0x7e: {  	_ =	shalt  }
0x7f: {  	_ =	shalt  }
0x80: {  	_ =	shalt  }
0x81: {  	_ =	shalt  }
0x82: {  	_ =	shalt  }
0x83: {  	_ =	shalt  }
0x84: {  	_ =	shalt  }
0x85: {  	_ =	shalt  }
0x86: {  	_ =	shalt  }
0x87: {  	_ =	shalt  }
.Lfunc_end0:
.L_simem_size_0:
called_computation.1_lowered:
.L_overlay_start_0:
0x88: {  	s2 =	sld [smem:$0x3FD9]  }
0x89: {  	s3 =	sld [smem:$0x3FFE];
	_ =	sdelay $0x1  }
0x8a: {  	s1 =	srdreg.scid  }
0x8b: {  	s0 =	sand.u32 $0x1, s1  }
0x8c: {  	s16 =	sshll.u32 s0, $0xA;
	s2 =	sadd.s32 s3, s2  }
0x8d: {  	s2 =	sadd.s32 s2, s16  }
0x8e: {  	[smem:$0x3FBD] =	sst s2  }
0x8f: {  	_ = 	snop  }
0x90: {  	(tm) =	ssettm $0x1  }
0x91: {  	s17 =	sld [smem:$0x3FFB];
	_ =	sdelay $0x3  }
0x92: {  	_ =	strace s17  }
0x93: {  	s2 =	sld [smem:$0x3FFC];
	_ =	sdelay $0x3  }
0x94: {  	_ =	strace s2  }
0x95: {  	s2 =	sld [smem:$0x3FFD];
	_ =	sdelay $0x3  }
0x96: {  	_ =	strace s2  }
0x97: {  	_ =	strace $0x8FFFFFFF  }
0x98: {  	s18 =	sld [smem:$0x3FDB];
	_ =	sdelay $0x1  }
0x99: {  	s19 =	simm.s32 $_scs_section_size  }
0x9a: {  	s4 =	simm.s32 $_size__tile_overlayer_lowered;
	s5 =	simm.s32 $_tile_overlayer_lowered  }
0x9b: {  	s22 =	simm.s32 $0x1BFF;
	s21 =	sshll.u32 s5, $0x1;
	s2 =	sadd.s32 s19, s18  }
0x9c: {  	s6 =	simm.s32 $0x0;
	s20 =	sshll.u32 s4, $0x1;
	s4 =	sadd.s32 s21, s2  }
0x9d: {  	[timem:s6], [sflag:s22] =	dma.local [hbm:s4], s20  }
0x9e: {  	_ =	swait.ge [sflag:s22], s20  }
0x9f: {  	s3 =	ssub.s32 $0x0, s20;
	[sflag:s22] =	ssyncset.done $0x0  }
0xa0: {  	[sflag:s22] =	ssyncadd.s32 s3;
	_ =	sdelay $0x1  }
0xa1: {  	s23 =	simm.s32 $0x1B8B  }
0xa2: {  	_ =	swait.ge [sflag:s23], $0x1  }
0xa3: {  	[sflag:s23] =	ssyncset.done $0x0  }
0xa4: {  	s25 =	simm.s32 $0x1B8E;
	s24 =	sld [smem:$0x3FFE];
	[sflag:s23] =	ssyncadd.s32 $0xFFFFFFFF  }
0xa5: {  	s26 =	simm.s32 $execute0_lowered;
	[smem:$0x3FD2] =	sst s25  }
0xa6: {  	s4 =	sshll.u32 s26, $0x1;
	_ =	strace $0x80000049;
	[dreg:$0x1] =	wrdreg $0xFFFFFFFF  }
0xa7: {  	s28 =	simm.s32 $_size_execute0_lowered;
	s2 =	sadd.s32 s2, s4;
	[dreg:$0x0] =	wrdreg $0x0  }
0xa8: {  	s4 =	sshll.u32 s28, $0x1;
	[dreg:$0x2] =	wrdreg s2  }
0xa9: {  	[dreg:$0x3] =	wrdreg s4  }
0xaa: {  	[dreg:$0x4] =	wrdreg $0xC0  }
0xab: {  	_ =	task [dreg:s6], $0x5FFFF  }
0xac: {  	[dreg:$0x1] =	wrdreg $0xFFFFFFFF  }
0xad: {  	[dreg:$0x0] =	wrdreg $0x60  }
0xae: {  	[dreg:$0x2] =	wrdreg s24  }
0xaf: {  	[dreg:$0x3] =	wrdreg $0x41000  }
0xb0: {  	[dreg:$0x4] =	wrdreg $0x9  }
0xb1: {  	_ =	task.clear_ibuf [dreg:s6], $0x5FFFF;
	_ =	strace $0x90000049  }
0xb2: {  	s29 =	simm.s32 $0x9;
	_ =	strace $0x8000004B  }
0xb3: {  	_ =	swait.ge [sflag:s29], $0x1  }
0xb4: {  	[sflag:s29] =	ssyncadd.s32 $0xFFFFFFFF  }
0xb5: {  	_ =	strace $0x9000004B  }
0xb6: {  	_ =	sfence  }
0xb7: {  	s30 =	sld [smem:$0x0];
	_ =	sdelay $0x2  }
0xb8: {  	s31 =	sshll.u32 s1, $0xD;
	s1 =	sshrl.u32 s1, $0x2  }
0xb9: {  	s3 =	sand.u32 $0x4000, s31;
	s1 =	sadd.s32 s1, s30  }
0xba: {  	s0 =	sor.u32 s3, s0;
	s1 =	sshll.u32 s1, $0x11  }
0xbb: {  	s0 =	sor.u32 s1, s0  }
0xbc: {  	s0 =	sadd.s32 $0x8F2B, s0  }
0xbd: {  	[sflag:s0] =	ssyncadd.remote.s32 $0x1  }
0xbe: {  	_ =	sfence.sel $0xFFFF  }
0xbf: {  	[dreg:$0x0] =	wrdreg $0xFFFFFFFF;
	(pc) =	sbr.abs _section_cstart, $3  }
0xc0: {  	[dreg:$0x1] =	wrdreg $0xFFFFFFFF  }
0xc1: {  	_ =	task.clear_ibuf [dreg:s6], $0x2FFFF;
	_ =	strace $0x9FFFFFFF  }
0xc2: {  	(tm) =	ssettm $0x7FFFFFFF  }
0xc3: {  	_ =	shalt  }
tec
execute0_lowered:
.L_overlay_start_1:
0x0: {  	(tag) =	ssettag $0x1  }
0x1: {  	s7 =	rddreg [dreg:$0x0];
	s0 =	srdreg.scid  }
0x2: {  	s2 =	rddreg [dreg:$0x1];
	s1 =	stileid.u32  }
0x3: {  	s3 =	simm.s32 $0x0;
	s15 =	simm.s32 $0x100;
	s16 =	simm.s32 $0x2  }
0x4: {  	s17 =	simm.s32 $0x80;
	s18 =	simm.s32 $0x1;
	s21 =	simm.s32 $0x0  }
0x5: {  	s8 =	sand.u32 $0x1, s0;
	s0 =	rddreg [dreg:$0x2];
	s6 =	smul.u32 $0x13C00, s1  }
0x6: {  	[smem:$0x7FF] =	sst s3;
	s4 =	sadd.s32 $0x287200, s7;
	s10 =	smul.u32 $0x4F000, s1  }
0x7: {  	s11 =	sshll.u32 s1, $0x1;
	s19 =	sshll.u32 s1, $0x6;
	s5 =	smul.u32 $0x13C000, s8  }
0x8: {  	_ =	strace $0x8000004A;
	s30 =	ssub.s32 $0x2, s8;
	s12 =	sor.u32 s8, s11  }
0x9: {  	s19 =	sor.u32 $0x1C02, s19;
	s31 =	sshrl.u32 s30, $0x1;
	s10 =	sshrl.u32 s10, $0x2  }
0xa: {  	s12 =	smul.u32 $0x2800, s12;
	s6 =	sadd.s32 s6, s5;
	s5 =	sadd.s32 $0x2200, s7  }
0xb: {  	s14 =	ssub.s32 s30, s31;
	s9 =	sshrl.u32 s6, $0x3;
	s6 =	sadd.s32 $0xC200, s7  }
0xc: {  	s14 =	smax.u32 s14, $0x1;
	s13 =	sadd.s32 s9, s7;
	s7 =	sadd.s32 s10, s2  }
0xd: {  	s8 =	sadd.s32 $0x4000, s7;
	s9 =	sadd.s32 $0x8000, s7;
	s10 =	sadd.s32 $0xC000, s7  }
0xe: {  	v0 =	vimm.f32 $0.0e+00;
	s11 =	sadd.s32 $0x10000, s7;
	s13 =	sadd.s32 $0x16200, s13;
	s20 =	sshrl.u32 s7, $0x3  }
.LBB2_1:
0xf: {  	s22 =	simm.s32 $0x0;
	s23 =	simm.s32 $0x200  }
.LBB2_2:
0x10: {  	p0 =	sne.s32 s23, $0xFE00;
	[tilespmem:s22+$0x170] =	vst v0  }
0x11: {  	[tilespmem:s22+$0x100] =	vst v0  }
0x12: {  	[tilespmem:s22+$0x110] =	vst v0  }
.Ltmp0:
0x13: {  	[tilespmem:s22+$0x120] =	vst v0;
	(pc) =	sbr.rel @p0 .LBB2_2-.Ltmp0, $4  }
0x14: {  	[tilespmem:s22+$0x130] =	vst v0  }
0x15: {  	[tilespmem:s22+$0x140] =	vst v0  }
0x16: {  	[tilespmem:s22+$0x150] =	vst v0  }
0x17: {  	[tilespmem:s22+$0x160] =	vst v0;
	s22 =	sshra.s32 s23, $0x2;
	s23 =	sadd.s32 $0x200, s23  }
0x18: {  	[tilespmem:s22+$0x170] =	vst v0  }
0x19: {  	[tilespmem:s22+$0x100] =	vst v0  }
0x1a: {  	[tilespmem:s22+$0x110] =	vst v0  }
0x1b: {  	[tilespmem:s22+$0x120] =	vst v0  }
0x1c: {  	[tilespmem:s22+$0x130] =	vst v0  }
0x1d: {  	[tilespmem:s22+$0x140] =	vst v0  }
0x1e: {  	[tilespmem:s22+$0x150] =	vst v0  }
0x1f: {  	[tilespmem:s22+$0x160] =	vst v0  }
0x20: {  	[spmem:s7] =	stream.linear.scatter [tilespmem:s15], [sflag:$0x2], $0x4000, $0x38;
	[tilespmem:$0x17D00] =	vst v63  }
0x21: {  	_ =	swait.ge [sflag:s16], $0x4000  }
0x22: {  	[sflag:s16] =	ssyncset.done $0x0  }
0x23: {  	[sflag:s16] =	ssyncadd.s32 $0xFFFFC000  }
0x24: {  	[spmem:s8] =	stream.linear.scatter [tilespmem:s15], [sflag:$0x2], $0x4000, $0x38;
	[tilespmem:$0x17D00] =	vst v63  }
0x25: {  	_ =	swait.ge [sflag:s16], $0x4000  }
0x26: {  	[sflag:s16] =	ssyncset.done $0x0  }
0x27: {  	[sflag:s16] =	ssyncadd.s32 $0xFFFFC000  }
0x28: {  	[spmem:s9] =	stream.linear.scatter [tilespmem:s15], [sflag:$0x2], $0x4000, $0x38;
	[tilespmem:$0x17D00] =	vst v63  }
0x29: {  	_ =	swait.ge [sflag:s16], $0x4000  }
0x2a: {  	[sflag:s16] =	ssyncset.done $0x0  }
0x2b: {  	[sflag:s16] =	ssyncadd.s32 $0xFFFFC000  }
0x2c: {  	[spmem:s10] =	stream.linear.scatter [tilespmem:s15], [sflag:$0x2], $0x4000, $0x38;
	[tilespmem:$0x17D00] =	vst v63  }
0x2d: {  	_ =	swait.ge [sflag:s16], $0x4000  }
0x2e: {  	s28 =	simm.s32 $0x0;
	[sflag:s16] =	ssyncset.done $0x0  }
0x2f: {  	s23 =	sand.u32 $0x3C00, s28;
	[sflag:s16] =	ssyncadd.s32 $0xFFFFC000  }
0x30: {  	[spmem:s11] =	stream.linear.scatter [tilespmem:s15], [sflag:$0x2], $0x3C00, $0x38;
	[tilespmem:$0x17D00] =	vst v63  }
0x31: {  	s22 =	sand.u32 $0x380, s28;
	s23 =	sadd.s32 s12, s23;
	_ =	swait.ge [sflag:s16], $0x3C00  }
0x32: {  	s22 =	sor.u32 s22, s23;
	[sflag:s16] =	ssyncset.done $0x0  }
0x33: {  	s22 =	sshrl.u32 s22, $0x3;
	[sflag:s16] =	ssyncadd.s32 $0xFFFFC400  }
0x34: {  	s29 =	sadd.s32 s5, s22;
	[bflag:$0x0] =	sbarrier.arrive $0xFFFF  }
0x35: {  	[tilespmem:s3], [sflag:$0x2] =	stream.linear.gather [hbm4b:s29+s3], $0x80, $0x38;
	[tilespmem:$0x17D00] =	vst v63  }
0x36: {  	_ =	swait.ge [sflag:s16], $0x80  }
0x37: {  	[sflag:s16] =	ssyncset.done $0x0  }
0x38: {  	s22 =	sadd.s32 s6, s22;
	[sflag:s16] =	ssyncadd.s32 $0xFFFFFF80  }
0x39: {  	[tilespmem:s17], [sflag:$0x2] =	stream.linear.gather [hbm4b:s22+s3], $0x80, $0x38;
	[tilespmem:$0x17D00] =	vst v63  }
0x3a: {  	_ =	swait.ge [sflag:s16], $0x80  }
0x3b: {  	[sflag:s16] =	ssyncset.done $0x0  }
0x3c: {  	[sflag:s16] =	ssyncadd.s32 $0xFFFFFF80  }
0x3d: {  	[tilespmem:s15], [sflag:$0x1] =	stream.indirect.gather [hbm4b:s4+s17], $0x80, s3, s17, $0xb8;
	[tilespmem:$0x17D00] =	vst v63  }
0x3e: {  	_ =	swait.ge [sflag:s18], $0x4000  }
0x3f: {  	s30 =	simm.s32 $0x80;
	[sflag:s18] =	ssyncset.done $0x0  }
0x40: {  	s31 =	sand.u32 $0x3C00, s30;
	[sflag:s18] =	ssyncadd.s32 $0xFFFFC000  }
0x41: {  	[spmem:s2] =	stream.indirect.scatter.add.f32 [tilespmem:s15], [sflag:$0x2], $0x80, s17, s17, $0xb8;
	[tilespmem:$0x17D00] =	vst v63  }
0x42: {  	s24 =	sand.u32 $0x380, s30;
	s23 =	sadd.s32 s12, s31;
	_ =	swait.ge [sflag:s16], $0x4000  }
0x43: {  	s23 =	sor.u32 s24, s23;
	s22 =	simm.s32 $0x100;
	[sflag:s16] =	ssyncset.done $0x0  }
.LBB2_4:
0x44: {  	s23 =	sshrl.u32 s23, $0x3  }
0x45: {  	[sflag:s16] =	ssyncadd.s32 $0xFFFFC000;
	s24 =	smov.u32 s22;
	s25 =	sadd.s32 $0x80, s22  }
0x46: {  	p0 =	sne.s32 s22, $0x2700;
	s22 =	sadd.s32 s5, s23  }
0x47: {  	[tilespmem:s3], [sflag:$0x2] =	stream.linear.gather [hbm4b:s22+s3], $0x80, $0x38;
	[tilespmem:$0x17D00] =	vst v63  }
0x48: {  	_ =	swait.ge [sflag:s16], $0x80  }
0x49: {  	[sflag:s16] =	ssyncset.done $0x0  }
0x4a: {  	s22 =	sadd.s32 s6, s23;
	[sflag:s16] =	ssyncadd.s32 $0xFFFFFF80  }
0x4b: {  	[tilespmem:s17], [sflag:$0x2] =	stream.linear.gather [hbm4b:s22+s3], $0x80, $0x38;
	[tilespmem:$0x17D00] =	vst v63  }
0x4c: {  	_ =	swait.ge [sflag:s16], $0x80  }
0x4d: {  	[sflag:s16] =	ssyncset.done $0x0  }
0x4e: {  	[sflag:s16] =	ssyncadd.s32 $0xFFFFFF80  }
0x4f: {  	[tilespmem:s15], [sflag:$0x1] =	stream.indirect.gather [hbm4b:s4+s17], $0x80, s3, s17, $0xb8;
	[tilespmem:$0x17D00] =	vst v63  }
0x50: {  	_ =	swait.ge [sflag:s18], $0x4000  }
.Ltmp1:
0x51: {  	[sflag:s18] =	ssyncset.done $0x0;
	(pc) =	sbr.rel @p0 .LBB2_4-.Ltmp1, $4  }
0x52: {  	s22 =	sand.u32 $0x3C00, s24;
	[sflag:s18] =	ssyncadd.s32 $0xFFFFC000  }
0x53: {  	[spmem:s2] =	stream.indirect.scatter.add.f32 [tilespmem:s15], [sflag:$0x2], $0x80, s17, s17, $0xb8;
	[tilespmem:$0x17D00] =	vst v63  }
0x54: {  	s23 =	sand.u32 $0x380, s24;
	s22 =	sadd.s32 s12, s22;
	_ =	swait.ge [sflag:s16], $0x4000  }
0x55: {  	s23 =	sor.u32 s23, s22;
	s22 =	smov.u32 s25;
	[sflag:s16] =	ssyncset.done $0x0  }
0x56: {  	s22 =	sshrl.u32 s23, $0x3  }
0x57: {  	[sflag:s16] =	ssyncadd.s32 $0xFFFFC000;
	s23 =	sadd.s32 s5, s22  }
0x58: {  	[tilespmem:s3], [sflag:$0x2] =	stream.linear.gather [hbm4b:s23+s3], $0x80, $0x38;
	[tilespmem:$0x17D00] =	vst v63  }
0x59: {  	_ =	swait.ge [sflag:s16], $0x80  }
0x5a: {  	[sflag:s16] =	ssyncset.done $0x0  }
0x5b: {  	s22 =	sadd.s32 s6, s22;
	[sflag:s16] =	ssyncadd.s32 $0xFFFFFF80  }
0x5c: {  	[tilespmem:s17], [sflag:$0x2] =	stream.linear.gather [hbm4b:s22+s3], $0x80, $0x38;
	[tilespmem:$0x17D00] =	vst v63  }
0x5d: {  	_ =	swait.ge [sflag:s16], $0x80  }
0x5e: {  	[sflag:s16] =	ssyncset.done $0x0  }
0x5f: {  	[sflag:s16] =	ssyncadd.s32 $0xFFFFFF80  }
0x60: {  	[tilespmem:s15], [sflag:$0x1] =	stream.indirect.gather [hbm4b:s4+s17], $0x80, s3, s17, $0xb8;
	[tilespmem:$0x17D00] =	vst v63  }
0x61: {  	_ =	swait.ge [sflag:s18], $0x4000  }
0x62: {  	[sflag:s18] =	ssyncset.done $0x0  }
0x63: {  	[sflag:s18] =	ssyncadd.s32 $0xFFFFC000  }
0x64: {  	[spmem:s2] =	stream.indirect.scatter.add.f32 [tilespmem:s15], [sflag:$0x2], $0x80, s17, s17, $0xb8;
	[tilespmem:$0x17D00] =	vst v63  }
0x65: {  	_ =	swait.ge [sflag:s16], $0x4000  }
0x66: {  	s21 =	sadd.s32 $0x1, s21;
	[sflag:s16] =	ssyncset.done $0x0  }
0x67: {  	p0 =	sne.s32 s21, s14;
	[sflag:s16] =	ssyncadd.s32 $0xFFFFC000  }
.Ltmp2:
0x68: {  	[bflag:$0x0] =	sbarrier.arrive $0xFFFF;
	(pc) =	sbr.rel @p0 .LBB2_1-.Ltmp2, $4  }
0x69: {  	[hbm:s13], [sflag:s19] =	dma.local [spmem:s20], $0x2780  }
0x6a: {  	_ =	swait.ge [sflag:s16], $0x2780  }
0x6b: {  	[sflag:s16] =	ssyncset.done $0x0  }
0x6c: {  	[sflag:s16] =	ssyncadd.s32 $0xFFFFD880  }
0x6d: {  	_ =	sfence.sel $0x180000  }
0x6e: {  	[bflag:$0x0] =	sbarrier.arrive $0xFFFF  }
0x6f: {  	p0 =	sne.s32 s1, $0x0;
	_ =	strace $0x9000004A  }
0x70: {  	s0 =	sadd.s32 @!p0 $0x100000, s0;
	[bflag:$0x2] =	sbarrier.arrive $0xFFFF  }
0x71: {  	[sflag:s0] =	ssyncadd.tile.s32 @!p0 $0x1;
	_ =	shalt  }
.Lfunc_end2:
_tile_overlayer_lowered:
.L_overlay_start_2:
0x72: {  	(tag) =	ssettag $0x2  }
0x73: {  	s0 =	rddreg [dreg:$0x0];
	s2 =	stileid.u32  }
0x74: {  	s1 =	rddreg [dreg:$0x1];
	p0 =	sne.s32 s2, $0x0  }
0x75: {  	s3 =	rddreg [dreg:$0x2];
	[bflag:$0x3] =	sbarrier.arrive $0xFFFF;
	s2 =	simm.s32 @!p0 $0x1C02  }
0x76: {  	[timem:s3], [sflag:s2] =	dma.local @!p0 [hbm:s0], s1  }
0x77: {  	s0 =	simm.s32 @!p0 $0x2  }
0x78: {  	_ =	swait.ge @!p0 [sflag:s0], s1  }
0x79: {  	s1 =	ssub.s32 @!p0 $0x0, s1;
	[sflag:s0] =	ssyncset.done @!p0 $0x0  }
0x7a: {  	[sflag:s0] =	ssyncadd.s32 @!p0 s1  }
0x7b: {  	[bflag:$0x3] =	sbarrier.arrive $0xFFFF  }
0x7c: {  	_ =	shalt  }

// kernel: kernel.7.cloned.1.call-start
scs
__scs_entry_jumppad:
0x0: {  	(pc) =	sbr.rel $0x88, $3  }
0x1: {  	(tag) =	ssettag $0x0;
	lr =	simm.s32 $0x1  }
0x2: {  	[smem:$0x3F96] =	sst lr;
	_ =	strace $0xD0000000  }
0x3: {  	_ = 	snop  }
0x4: {  	_ = 	snop  }
0x5: {  	_ = 	snop  }
0x6: {  	_ = 	snop  }
0x7: {  	_ = 	snop  }
__scs_overlays_trampoline_lowered:
0x8: {  	[smem:$0x3FA5] =	sst s0  }
0x9: {  	[smem:$0x3FA6] =	sst s1  }
0xa: {  	[smem:$0x3FA7] =	sst s2  }
0xb: {  	[smem:$0x3FA8] =	sst s3  }
0xc: {  	[smem:$0x3FA9] =	sst s4  }
0xd: {  	[smem:$0x3FAA] =	sst s5  }
0xe: {  	[smem:$0x3FAB] =	sst s6  }
0xf: {  	[smem:$0x3FAC] =	sst s7  }
0x10: {  	[smem:$0x3FAD] =	sst s8  }
0x11: {  	[smem:$0x3FAE] =	sst s9;
	s0 =	simm.s32 @!p0 $0x0  }
0x12: {  	s1 =	sld [smem:$0x3F94];
	s0 =	simm.s32 @p0 $0x1  }
0x13: {  	[smem:$0x3FAF] =	sst s0;
	s0 =	simm.s32 @!p1 $0x0  }
0x14: {  	s2 =	sld [smem:$0x3F93];
	s0 =	simm.s32 @p1 $0x1  }
0x15: {  	[smem:$0x3FB0] =	sst s0;
	s0 =	simm.s32 @!p2 $0x0  }
0x16: {  	s3 =	sld [smem:$0x3FDB];
	s0 =	simm.s32 @p2 $0x1  }
0x17: {  	s4 =	simm.s32 $0x1BF5;
	[smem:$0x3FB2] =	sst s0  }
0x18: {  	s0 =	sld [smem:$0x3F95];
	_ =	swait.ge [sflag:s4], $0x0  }
0x19: {  	s7 =	sld [smem:$0x3F96]  }
0x1a: {  	s8 =	sadd.s32 $0xFFFFE003, lr  }
0x1b: {  	s9 =	sadd.s32 $0xFFFFFEF7, lr;
	s5 =	simm.s32 $0xFFFFFFFF;
	p2 =	slt.u32 s8, $0xFFFFF086  }
0x1c: {  	p1 =	slt.u32 s9, $0xF7A;
	s5 =	simm.s32 @!p2 $0x0  }
0x1d: {  	s5 =	simm.s32 @p1 $0x1;
	p0 =	seq.s32 s7, s2  }
0x1e: {  	s7 =	smul.u32 @!p0 $0xF7A, s2;
	p2 =	seq.s32 @!p0 s5, $0x0  }
0x1f: {  	s9 =	smul.u32 $0xF7A, s1;
	s8 =	simm.s32 @!p0 $0x1BF5;
	p2 =	por !p2, p0  }
0x20: {  	[sflag:s8] =	ssyncset.s32 @!p0 $0xFFFFF086;
	s6 =	sadd.s32 @!p0 s3, s7;
	s7 =	simm.s32 @!p0 $0x108  }
0x21: {  	s3 =	sadd.s32 s3, s9;
	s6 =	sadd.s32 @!p0 $0x88, s6;
	s7 =	simm.s32 @p2 $0x1082  }
0x22: {  	[simem:s7], [sflag:s8] =	dma.local @!p0 [hbm:s6], $0xF7A  }
0x23: {  	s9 =	sor.u32 $0xD0000000, s2;
	s6 =	simm.s32 $0x108;
	_ =	swait.ge @!p0 [sflag:s8], $0x0  }
0x24: {  	s3 =	sadd.s32 $0x88, s3;
	s6 =	simm.s32 @!p1 $0x1082;
	[sflag:s4] =	ssyncset.s32 $0xFFFFF086  }
0x25: {  	[simem:s6], [sflag:s4] =	dma.local [hbm:s3], $0xF7A  }
0x26: {  	[smem:$0x3F96] =	sst s1;
	(tag) =	ssettag s2;
	_ =	strace s9  }
0x27: {  	s1 =	sld [smem:$0x3FA6]  }
0x28: {  	s2 =	sld [smem:$0x3FA7]  }
0x29: {  	s4 =	sld [smem:$0x3FA9]  }
0x2a: {  	p0 =	seq.s32 s5, $0x0;
	s5 =	sld [smem:$0x3FAA]  }
0x2b: {  	s6 =	sld [smem:$0x3FAB]  }
0x2c: {  	s7 =	sld [smem:$0x3FAC]  }
0x2d: {  	s3 =	simm.s32 $0x108;
	s8 =	sld [smem:$0x3FAD]  }
0x2e: {  	s3 =	simm.s32 @!p0 $0x1082;
	s9 =	sld [smem:$0x3FAE]  }
0x2f: {  	lr =	sadd.s32 s0, s3;
	s0 =	sld [smem:$0x3FA5]  }
0x30: {  	s3 =	sld [smem:$0x3FA8]  }
0x31: {  	[smem:$0x3FB1] =	sst s10  }
0x32: {  	s10 =	sld [smem:$0x3FAF];
	_ =	sdelay $0x3  }
0x33: {  	p0 =	seq.s32 s10, $0x1;
	s10 =	sld [smem:$0x3FB1];
	_ =	sdelay $0x3  }
0x34: {  	[smem:$0x3FB1] =	sst s10  }
0x35: {  	s10 =	sld [smem:$0x3FB0];
	_ =	sdelay $0x3  }
0x36: {  	p1 =	seq.s32 s10, $0x1;
	s10 =	sld [smem:$0x3FB1];
	_ =	sdelay $0x3  }
0x37: {  	[smem:$0x3FB1] =	sst s10  }
0x38: {  	s10 =	sld [smem:$0x3FB2]  }
0x39: {  	_ = 	snop;
	(pc) =	sbr.ind lr, $3  }
0x3a: {  	_ = 	snop  }
0x3b: {  	_ = 	snop  }
0x3c: {  	p2 =	seq.s32 s10, $0x1;
	s10 =	sld [smem:$0x3FB1]  }
0x3d: {  	_ =	shalt  }
0x3e: {  	_ =	shalt  }
0x3f: {  	_ =	shalt  }
0x40: {  	_ =	shalt  }
0x41: {  	_ =	shalt  }
0x42: {  	_ =	shalt  }
0x43: {  	_ =	shalt  }
0x44: {  	_ =	shalt  }
0x45: {  	_ =	shalt  }
0x46: {  	_ =	shalt  }
0x47: {  	_ =	shalt  }
0x48: {  	_ =	shalt  }
0x49: {  	_ =	shalt  }
0x4a: {  	_ =	shalt  }
0x4b: {  	_ =	shalt  }
0x4c: {  	_ =	shalt  }
0x4d: {  	_ =	shalt  }
0x4e: {  	_ =	shalt  }
0x4f: {  	_ =	shalt  }
0x50: {  	_ =	shalt  }
0x51: {  	_ =	shalt  }
0x52: {  	_ =	shalt  }
0x53: {  	_ =	shalt  }
0x54: {  	_ =	shalt  }
0x55: {  	_ =	shalt  }
0x56: {  	_ =	shalt  }
0x57: {  	_ =	shalt  }
0x58: {  	_ =	shalt  }
0x59: {  	_ =	shalt  }
0x5a: {  	_ =	shalt  }
0x5b: {  	_ =	shalt  }
0x5c: {  	_ =	shalt  }
0x5d: {  	_ =	shalt  }
0x5e: {  	_ =	shalt  }
0x5f: {  	_ =	shalt  }
0x60: {  	_ =	shalt  }
0x61: {  	_ =	shalt  }
0x62: {  	_ =	shalt  }
0x63: {  	_ =	shalt  }
0x64: {  	_ =	shalt  }
0x65: {  	_ =	shalt  }
0x66: {  	_ =	shalt  }
0x67: {  	_ =	shalt  }
0x68: {  	_ =	shalt  }
0x69: {  	_ =	shalt  }
0x6a: {  	_ =	shalt  }
0x6b: {  	_ =	shalt  }
0x6c: {  	_ =	shalt  }
0x6d: {  	_ =	shalt  }
0x6e: {  	_ =	shalt  }
0x6f: {  	_ =	shalt  }
0x70: {  	_ =	shalt  }
0x71: {  	_ =	shalt  }
0x72: {  	_ =	shalt  }
0x73: {  	_ =	shalt  }
0x74: {  	_ =	shalt  }
0x75: {  	_ =	shalt  }
0x76: {  	_ =	shalt  }
0x77: {  	_ =	shalt  }
0x78: {  	_ =	shalt  }
0x79: {  	_ =	shalt  }
0x7a: {  	_ =	shalt  }
0x7b: {  	_ =	shalt  }
0x7c: {  	_ =	shalt  }
0x7d: {  	_ =	shalt  }
0x7e: {  	_ =	shalt  }
0x7f: {  	_ =	shalt  }
0x80: {  	_ =	shalt  }
0x81: {  	_ =	shalt  }
0x82: {  	_ =	shalt  }
0x83: {  	_ =	shalt  }
0x84: {  	_ =	shalt  }
0x85: {  	_ =	shalt  }
0x86: {  	_ =	shalt  }
0x87: {  	_ =	shalt  }
.Lfunc_end0:
.L_simem_size_0:
called_computation_lowered:
.L_overlay_start_0:
0x88: {  	s2 =	sld [smem:$0x3FD9]  }
0x89: {  	s3 =	sld [smem:$0x3FFE];
	_ =	sdelay $0x1  }
0x8a: {  	s1 =	srdreg.scid  }
0x8b: {  	s0 =	sand.u32 $0x1, s1  }
0x8c: {  	s16 =	sshll.u32 s0, $0xA;
	s2 =	sadd.s32 s3, s2  }
0x8d: {  	s2 =	sadd.s32 s2, s16  }
0x8e: {  	[smem:$0x3FBD] =	sst s2  }
0x8f: {  	_ = 	snop  }
0x90: {  	(tm) =	ssettm $0x1  }
0x91: {  	s17 =	sld [smem:$0x3FFB];
	_ =	sdelay $0x3  }
0x92: {  	_ =	strace s17  }
0x93: {  	s2 =	sld [smem:$0x3FFC];
	_ =	sdelay $0x3  }
0x94: {  	_ =	strace s2  }
0x95: {  	s2 =	sld [smem:$0x3FFD];
	_ =	sdelay $0x3  }
0x96: {  	_ =	strace s2  }
0x97: {  	_ =	strace $0x8FFFFFFF  }
0x98: {  	s18 =	sld [smem:$0x3FDB];
	_ =	sdelay $0x1  }
0x99: {  	s19 =	simm.s32 $_scs_section_size  }
0x9a: {  	s4 =	simm.s32 $_size__tile_overlayer_lowered;
	s5 =	simm.s32 $_tile_overlayer_lowered  }
0x9b: {  	s22 =	simm.s32 $0x1BFF;
	s21 =	sshll.u32 s5, $0x1;
	s2 =	sadd.s32 s19, s18  }
0x9c: {  	s6 =	simm.s32 $0x0;
	s20 =	sshll.u32 s4, $0x1;
	s4 =	sadd.s32 s21, s2  }
0x9d: {  	[timem:s6], [sflag:s22] =	dma.local [hbm:s4], s20  }
0x9e: {  	_ =	swait.ge [sflag:s22], s20  }
0x9f: {  	s3 =	ssub.s32 $0x0, s20;
	[sflag:s22] =	ssyncset.done $0x0  }
0xa0: {  	[sflag:s22] =	ssyncadd.s32 s3;
	_ =	sdelay $0x1  }
0xa1: {  	s23 =	simm.s32 $0x1B8B  }
0xa2: {  	_ =	swait.ge [sflag:s23], $0x1  }
0xa3: {  	[sflag:s23] =	ssyncset.done $0x0  }
0xa4: {  	s25 =	simm.s32 $0x1B8E;
	s24 =	sld [smem:$0x3FFE];
	[sflag:s23] =	ssyncadd.s32 $0xFFFFFFFF  }
0xa5: {  	s26 =	simm.s32 $execute0_lowered;
	[smem:$0x3FD2] =	sst s25  }
0xa6: {  	s4 =	sshll.u32 s26, $0x1;
	_ =	strace $0x80000046;
	[dreg:$0x1] =	wrdreg $0xFFFFFFFF  }
0xa7: {  	s28 =	simm.s32 $_size_execute0_lowered;
	s2 =	sadd.s32 s2, s4;
	[dreg:$0x0] =	wrdreg $0x0  }
0xa8: {  	s4 =	sshll.u32 s28, $0x1;
	[dreg:$0x2] =	wrdreg s2  }
0xa9: {  	[dreg:$0x3] =	wrdreg s4  }
0xaa: {  	[dreg:$0x4] =	wrdreg $0xC0  }
0xab: {  	_ =	task [dreg:s6], $0x5FFFF  }
0xac: {  	[dreg:$0x1] =	wrdreg $0xFFFFFFFF  }
0xad: {  	[dreg:$0x0] =	wrdreg $0x60  }
0xae: {  	[dreg:$0x2] =	wrdreg s24  }
0xaf: {  	[dreg:$0x3] =	wrdreg $0x41000  }
0xb0: {  	[dreg:$0x4] =	wrdreg $0x9  }
0xb1: {  	_ =	task.clear_ibuf [dreg:s6], $0x5FFFF;
	_ =	strace $0x90000046  }
0xb2: {  	s29 =	simm.s32 $0x9;
	_ =	strace $0x80000048  }
0xb3: {  	_ =	swait.ge [sflag:s29], $0x1  }
0xb4: {  	[sflag:s29] =	ssyncadd.s32 $0xFFFFFFFF  }
0xb5: {  	_ =	strace $0x90000048  }
0xb6: {  	_ =	sfence  }
0xb7: {  	s30 =	sld [smem:$0x0];
	_ =	sdelay $0x2  }
0xb8: {  	s31 =	sshll.u32 s1, $0xD;
	s1 =	sshrl.u32 s1, $0x2  }
0xb9: {  	s3 =	sand.u32 $0x4000, s31;
	s1 =	sadd.s32 s1, s30  }
0xba: {  	s0 =	sor.u32 s3, s0;
	s1 =	sshll.u32 s1, $0x11  }
0xbb: {  	s0 =	sor.u32 s1, s0  }
0xbc: {  	s0 =	sadd.s32 $0x8F2B, s0  }
0xbd: {  	[sflag:s0] =	ssyncadd.remote.s32 $0x1  }
0xbe: {  	_ =	sfence.sel $0xFFFF  }
0xbf: {  	[dreg:$0x0] =	wrdreg $0xFFFFFFFF;
	(pc) =	sbr.abs _section_cstart, $3  }
0xc0: {  	[dreg:$0x1] =	wrdreg $0xFFFFFFFF  }
0xc1: {  	_ =	task.clear_ibuf [dreg:s6], $0x2FFFF;
	_ =	strace $0x9FFFFFFF  }
0xc2: {  	(tm) =	ssettm $0x7FFFFFFF  }
0xc3: {  	_ =	shalt  }
tec
execute0_lowered:
.L_overlay_start_1:
0x0: {  	(tag) =	ssettag $0x1  }
0x1: {  	s7 =	rddreg [dreg:$0x0];
	s0 =	srdreg.scid  }
0x2: {  	s2 =	rddreg [dreg:$0x1];
	s1 =	stileid.u32  }
0x3: {  	s3 =	simm.s32 $0x0;
	s15 =	simm.s32 $0x100;
	s16 =	simm.s32 $0x2  }
0x4: {  	s17 =	simm.s32 $0x80;
	s18 =	simm.s32 $0x1;
	s21 =	simm.s32 $0x0  }
0x5: {  	s8 =	sand.u32 $0x1, s0;
	s0 =	rddreg [dreg:$0x2];
	s6 =	smul.u32 $0x13C00, s1  }
0x6: {  	[smem:$0x7FF] =	sst s3;
	s4 =	sadd.s32 $0x287200, s7;
	s10 =	smul.u32 $0x4F000, s1  }
0x7: {  	s11 =	sshll.u32 s1, $0x1;
	s19 =	sshll.u32 s1, $0x6;
	s5 =	smul.u32 $0x13C000, s8  }
0x8: {  	_ =	strace $0x80000047;
	s30 =	ssub.s32 $0x2, s8;
	s12 =	sor.u32 s8, s11  }
0x9: {  	s19 =	sor.u32 $0x1C02, s19;
	s31 =	sshrl.u32 s30, $0x1;
	s10 =	sshrl.u32 s10, $0x2  }
0xa: {  	s12 =	smul.u32 $0x2800, s12;
	s6 =	sadd.s32 s6, s5;
	s5 =	sadd.s32 $0x2200, s7  }
0xb: {  	s14 =	ssub.s32 s30, s31;
	s9 =	sshrl.u32 s6, $0x3;
	s6 =	sadd.s32 $0xC200, s7  }
0xc: {  	s14 =	smax.u32 s14, $0x1;
	s13 =	sadd.s32 s9, s7;
	s7 =	sadd.s32 s10, s2  }
0xd: {  	s8 =	sadd.s32 $0x4000, s7;
	s9 =	sadd.s32 $0x8000, s7;
	s10 =	sadd.s32 $0xC000, s7  }
0xe: {  	v0 =	vimm.f32 $0.0e+00;
	s11 =	sadd.s32 $0x10000, s7;
	s13 =	sadd.s32 $0x16200, s13;
	s20 =	sshrl.u32 s7, $0x3  }
.LBB2_1:
0xf: {  	s22 =	simm.s32 $0x0;
	s23 =	simm.s32 $0x200  }
.LBB2_2:
0x10: {  	p0 =	sne.s32 s23, $0xFE00;
	[tilespmem:s22+$0x170] =	vst v0  }
0x11: {  	[tilespmem:s22+$0x100] =	vst v0  }
0x12: {  	[tilespmem:s22+$0x110] =	vst v0  }
.Ltmp0:
0x13: {  	[tilespmem:s22+$0x120] =	vst v0;
	(pc) =	sbr.rel @p0 .LBB2_2-.Ltmp0, $4  }
0x14: {  	[tilespmem:s22+$0x130] =	vst v0  }
0x15: {  	[tilespmem:s22+$0x140] =	vst v0  }
0x16: {  	[tilespmem:s22+$0x150] =	vst v0  }
0x17: {  	[tilespmem:s22+$0x160] =	vst v0;
	s22 =	sshra.s32 s23, $0x2;
	s23 =	sadd.s32 $0x200, s23  }
0x18: {  	[tilespmem:s22+$0x170] =	vst v0  }
0x19: {  	[tilespmem:s22+$0x100] =	vst v0  }
0x1a: {  	[tilespmem:s22+$0x110] =	vst v0  }
0x1b: {  	[tilespmem:s22+$0x120] =	vst v0  }
0x1c: {  	[tilespmem:s22+$0x130] =	vst v0  }
0x1d: {  	[tilespmem:s22+$0x140] =	vst v0  }
0x1e: {  	[tilespmem:s22+$0x150] =	vst v0  }
0x1f: {  	[tilespmem:s22+$0x160] =	vst v0  }
0x20: {  	[spmem:s7] =	stream.linear.scatter [tilespmem:s15], [sflag:$0x2], $0x4000, $0x38;
	[tilespmem:$0x17D00] =	vst v63  }
0x21: {  	_ =	swait.ge [sflag:s16], $0x4000  }
0x22: {  	[sflag:s16] =	ssyncset.done $0x0  }
0x23: {  	[sflag:s16] =	ssyncadd.s32 $0xFFFFC000  }
0x24: {  	[spmem:s8] =	stream.linear.scatter [tilespmem:s15], [sflag:$0x2], $0x4000, $0x38;
	[tilespmem:$0x17D00] =	vst v63  }
0x25: {  	_ =	swait.ge [sflag:s16], $0x4000  }
0x26: {  	[sflag:s16] =	ssyncset.done $0x0  }
0x27: {  	[sflag:s16] =	ssyncadd.s32 $0xFFFFC000  }
0x28: {  	[spmem:s9] =	stream.linear.scatter [tilespmem:s15], [sflag:$0x2], $0x4000, $0x38;
	[tilespmem:$0x17D00] =	vst v63  }
0x29: {  	_ =	swait.ge [sflag:s16], $0x4000  }
0x2a: {  	[sflag:s16] =	ssyncset.done $0x0  }
0x2b: {  	[sflag:s16] =	ssyncadd.s32 $0xFFFFC000  }
0x2c: {  	[spmem:s10] =	stream.linear.scatter [tilespmem:s15], [sflag:$0x2], $0x4000, $0x38;
	[tilespmem:$0x17D00] =	vst v63  }
0x2d: {  	_ =	swait.ge [sflag:s16], $0x4000  }
0x2e: {  	s28 =	simm.s32 $0x0;
	[sflag:s16] =	ssyncset.done $0x0  }
0x2f: {  	s23 =	sand.u32 $0x3C00, s28;
	[sflag:s16] =	ssyncadd.s32 $0xFFFFC000  }
0x30: {  	[spmem:s11] =	stream.linear.scatter [tilespmem:s15], [sflag:$0x2], $0x3C00, $0x38;
	[tilespmem:$0x17D00] =	vst v63  }
0x31: {  	s22 =	sand.u32 $0x380, s28;
	s23 =	sadd.s32 s12, s23;
	_ =	swait.ge [sflag:s16], $0x3C00  }
0x32: {  	s22 =	sor.u32 s22, s23;
	[sflag:s16] =	ssyncset.done $0x0  }
0x33: {  	s22 =	sshrl.u32 s22, $0x3;
	[sflag:s16] =	ssyncadd.s32 $0xFFFFC400  }
0x34: {  	s29 =	sadd.s32 s5, s22;
	[bflag:$0x0] =	sbarrier.arrive $0xFFFF  }
0x35: {  	[tilespmem:s3], [sflag:$0x2] =	stream.linear.gather [hbm4b:s29+s3], $0x80, $0x38;
	[tilespmem:$0x17D00] =	vst v63  }
0x36: {  	_ =	swait.ge [sflag:s16], $0x80  }
0x37: {  	[sflag:s16] =	ssyncset.done $0x0  }
0x38: {  	s22 =	sadd.s32 s6, s22;
	[sflag:s16] =	ssyncadd.s32 $0xFFFFFF80  }
0x39: {  	[tilespmem:s17], [sflag:$0x2] =	stream.linear.gather [hbm4b:s22+s3], $0x80, $0x38;
	[tilespmem:$0x17D00] =	vst v63  }
0x3a: {  	_ =	swait.ge [sflag:s16], $0x80  }
0x3b: {  	[sflag:s16] =	ssyncset.done $0x0  }
0x3c: {  	[sflag:s16] =	ssyncadd.s32 $0xFFFFFF80  }
0x3d: {  	[tilespmem:s15], [sflag:$0x1] =	stream.indirect.gather [hbm4b:s4+s17], $0x80, s3, s17, $0xb8;
	[tilespmem:$0x17D00] =	vst v63  }
0x3e: {  	_ =	swait.ge [sflag:s18], $0x4000  }
0x3f: {  	s30 =	simm.s32 $0x80;
	[sflag:s18] =	ssyncset.done $0x0  }
0x40: {  	s31 =	sand.u32 $0x3C00, s30;
	[sflag:s18] =	ssyncadd.s32 $0xFFFFC000  }
0x41: {  	[spmem:s2] =	stream.indirect.scatter.add.f32 [tilespmem:s15], [sflag:$0x2], $0x80, s17, s17, $0xb8;
	[tilespmem:$0x17D00] =	vst v63  }
0x42: {  	s24 =	sand.u32 $0x380, s30;
	s23 =	sadd.s32 s12, s31;
	_ =	swait.ge [sflag:s16], $0x4000  }
0x43: {  	s23 =	sor.u32 s24, s23;
	s22 =	simm.s32 $0x100;
	[sflag:s16] =	ssyncset.done $0x0  }
.LBB2_4:
0x44: {  	s23 =	sshrl.u32 s23, $0x3  }
0x45: {  	[sflag:s16] =	ssyncadd.s32 $0xFFFFC000;
	s24 =	smov.u32 s22;
	s25 =	sadd.s32 $0x80, s22  }
0x46: {  	p0 =	sne.s32 s22, $0x2700;
	s22 =	sadd.s32 s5, s23  }
0x47: {  	[tilespmem:s3], [sflag:$0x2] =	stream.linear.gather [hbm4b:s22+s3], $0x80, $0x38;
	[tilespmem:$0x17D00] =	vst v63  }
0x48: {  	_ =	swait.ge [sflag:s16], $0x80  }
0x49: {  	[sflag:s16] =	ssyncset.done $0x0  }
0x4a: {  	s22 =	sadd.s32 s6, s23;
	[sflag:s16] =	ssyncadd.s32 $0xFFFFFF80  }
0x4b: {  	[tilespmem:s17], [sflag:$0x2] =	stream.linear.gather [hbm4b:s22+s3], $0x80, $0x38;
	[tilespmem:$0x17D00] =	vst v63  }
0x4c: {  	_ =	swait.ge [sflag:s16], $0x80  }
0x4d: {  	[sflag:s16] =	ssyncset.done $0x0  }
0x4e: {  	[sflag:s16] =	ssyncadd.s32 $0xFFFFFF80  }
0x4f: {  	[tilespmem:s15], [sflag:$0x1] =	stream.indirect.gather [hbm4b:s4+s17], $0x80, s3, s17, $0xb8;
	[tilespmem:$0x17D00] =	vst v63  }
0x50: {  	_ =	swait.ge [sflag:s18], $0x4000  }
.Ltmp1:
0x51: {  	[sflag:s18] =	ssyncset.done $0x0;
	(pc) =	sbr.rel @p0 .LBB2_4-.Ltmp1, $4  }
0x52: {  	s22 =	sand.u32 $0x3C00, s24;
	[sflag:s18] =	ssyncadd.s32 $0xFFFFC000  }
0x53: {  	[spmem:s2] =	stream.indirect.scatter.add.f32 [tilespmem:s15], [sflag:$0x2], $0x80, s17, s17, $0xb8;
	[tilespmem:$0x17D00] =	vst v63  }
0x54: {  	s23 =	sand.u32 $0x380, s24;
	s22 =	sadd.s32 s12, s22;
	_ =	swait.ge [sflag:s16], $0x4000  }
0x55: {  	s23 =	sor.u32 s23, s22;
	s22 =	smov.u32 s25;
	[sflag:s16] =	ssyncset.done $0x0  }
0x56: {  	s22 =	sshrl.u32 s23, $0x3  }
0x57: {  	[sflag:s16] =	ssyncadd.s32 $0xFFFFC000;
	s23 =	sadd.s32 s5, s22  }
0x58: {  	[tilespmem:s3], [sflag:$0x2] =	stream.linear.gather [hbm4b:s23+s3], $0x80, $0x38;
	[tilespmem:$0x17D00] =	vst v63  }
0x59: {  	_ =	swait.ge [sflag:s16], $0x80  }
0x5a: {  	[sflag:s16] =	ssyncset.done $0x0  }
0x5b: {  	s22 =	sadd.s32 s6, s22;
	[sflag:s16] =	ssyncadd.s32 $0xFFFFFF80  }
0x5c: {  	[tilespmem:s17], [sflag:$0x2] =	stream.linear.gather [hbm4b:s22+s3], $0x80, $0x38;
	[tilespmem:$0x17D00] =	vst v63  }
0x5d: {  	_ =	swait.ge [sflag:s16], $0x80  }
0x5e: {  	[sflag:s16] =	ssyncset.done $0x0  }
0x5f: {  	[sflag:s16] =	ssyncadd.s32 $0xFFFFFF80  }
0x60: {  	[tilespmem:s15], [sflag:$0x1] =	stream.indirect.gather [hbm4b:s4+s17], $0x80, s3, s17, $0xb8;
	[tilespmem:$0x17D00] =	vst v63  }
0x61: {  	_ =	swait.ge [sflag:s18], $0x4000  }
0x62: {  	[sflag:s18] =	ssyncset.done $0x0  }
0x63: {  	[sflag:s18] =	ssyncadd.s32 $0xFFFFC000  }
0x64: {  	[spmem:s2] =	stream.indirect.scatter.add.f32 [tilespmem:s15], [sflag:$0x2], $0x80, s17, s17, $0xb8;
	[tilespmem:$0x17D00] =	vst v63  }
0x65: {  	_ =	swait.ge [sflag:s16], $0x4000  }
0x66: {  	s21 =	sadd.s32 $0x1, s21;
	[sflag:s16] =	ssyncset.done $0x0  }
0x67: {  	p0 =	sne.s32 s21, s14;
	[sflag:s16] =	ssyncadd.s32 $0xFFFFC000  }
.Ltmp2:
0x68: {  	[bflag:$0x0] =	sbarrier.arrive $0xFFFF;
	(pc) =	sbr.rel @p0 .LBB2_1-.Ltmp2, $4  }
0x69: {  	[hbm:s13], [sflag:s19] =	dma.local [spmem:s20], $0x2780  }
0x6a: {  	_ =	swait.ge [sflag:s16], $0x2780  }
0x6b: {  	[sflag:s16] =	ssyncset.done $0x0  }
0x6c: {  	[sflag:s16] =	ssyncadd.s32 $0xFFFFD880  }
0x6d: {  	_ =	sfence.sel $0x180000  }
0x6e: {  	[bflag:$0x0] =	sbarrier.arrive $0xFFFF  }
0x6f: {  	p0 =	sne.s32 s1, $0x0;
	_ =	strace $0x90000047  }
0x70: {  	s0 =	sadd.s32 @!p0 $0x100000, s0;
	[bflag:$0x2] =	sbarrier.arrive $0xFFFF  }
0x71: {  	[sflag:s0] =	ssyncadd.tile.s32 @!p0 $0x1;
	_ =	shalt  }
.Lfunc_end2:
_tile_overlayer_lowered:
.L_overlay_start_2:
0x72: {  	(tag) =	ssettag $0x2  }
0x73: {  	s0 =	rddreg [dreg:$0x0];
	s2 =	stileid.u32  }
0x74: {  	s1 =	rddreg [dreg:$0x1];
	p0 =	sne.s32 s2, $0x0  }
0x75: {  	s3 =	rddreg [dreg:$0x2];
	[bflag:$0x3] =	sbarrier.arrive $0xFFFF;
	s2 =	simm.s32 @!p0 $0x1C02  }
0x76: {  	[timem:s3], [sflag:s2] =	dma.local @!p0 [hbm:s0], s1  }
0x77: {  	s0 =	simm.s32 @!p0 $0x2  }
0x78: {  	_ =	swait.ge @!p0 [sflag:s0], s1  }
0x79: {  	s1 =	ssub.s32 @!p0 $0x0, s1;
	[sflag:s0] =	ssyncset.done @!p0 $0x0  }
0x7a: {  	[sflag:s0] =	ssyncadd.s32 @!p0 s1  }
0x7b: {  	[bflag:$0x3] =	sbarrier.arrive $0xFFFF  }
0x7c: {  	_ =	shalt  }

</sc_bundles>
